<compile_context>
chip_gen: v7x
topology: tpu7x:2x2x1
jax: 0.10.2.dev20260603
libtpu: 0.0.44.dev20260713+nightly
codegen_flags: <defaults>
</compile_context>

<pallas_src>
import jax
import jax.numpy as jnp
from jax import lax
from jax.experimental import pallas as pl
from jax.experimental.pallas import tpu as pltpu
from jax.experimental.pallas import tpu_sc as plsc

N_WORD = 40000
N_TOPIC = 800
N_DOC = 3200
B = 16
H = 128
VOCAB = 15000
NUM_TOPIC = 50

OW = 40960
OT = 1024
ND = 3328
E_WD = 200000
E_TD = 20000
CW = 12544
CT = 1280
EW = 6272
ET = 640
NW_CH = 2560
NT_CH = 64


def _rsqrt16(x):
    i = lax.bitcast_convert_type(x, jnp.int32)
    i = jnp.int32(0x5F3759DF) - lax.shift_right_arithmetic(i, 1)
    y = lax.bitcast_convert_type(i, jnp.float32)
    for _ in range(2):
        y = y * (1.5 - 0.5 * x * y * y)
    return y


def _fill_i32(buf, start, count, value):
    v = jnp.full((16,), value, jnp.int32)

    def bd(i, _):
        buf[pl.ds(start + i * 16, 16)] = v
        return 0
    lax.fori_loop(0, count // 16, bd, 0)



def _k1_body(we_ref, te_ref, wwd_ref, wtd_ref, ow_ref, uws_ref, uts_ref):
    ow = ow_ref[...]
    vw = jnp.dot(wwd_ref[...], ow, preferred_element_type=jnp.float32)
    r = jnp.dot(we_ref[...], vw, preferred_element_type=jnp.float32)
    uws_ref[...] = jnp.broadcast_to(r, (r.shape[0], H))

    @pl.when(pl.program_id(0) == 0)
    def _():
        vt = jnp.dot(wtd_ref[...], ow, preferred_element_type=jnp.float32)
        rt = jnp.dot(te_ref[...], vt, preferred_element_type=jnp.float32)
        uts_ref[...] = jnp.broadcast_to(rt, (NUM_TOPIC, H))



def _sc_body(wd_src, wd_dst, td_src, td_dst, word_ids, topic_ids,
             uws, uts, ones_hbm, zeros_hbm, out,
             cnt_ow, cnt_iw, cnt_ot, cnt_it, m_wd, m_td, nv_w, nv_t,
             zbuf, ones, ones_t,
             ibufS, ibufD, tbufS, tbufD, jbufS, jbufD1, jbufD2, kbufS, kbufD,
             vbufA, vbufB, vbuf_t, gidx, gbuf, cbuf, nbuf,
             gidx_t, gbuf_t, cbuf_t, nbuf_t,
             mw, mt, ciw, cit, accbuf,
             semA, semB, semC, semD, semE):
    c = lax.axis_index("c")
    s = lax.axis_index("s")
    w = c * 16 + s

    d_ones = pltpu.async_copy(ones_hbm, ones, semA)
    d_onest = pltpu.async_copy(ones_hbm.at[pl.ds(0, CT)], ones_t, semA)
    d_zbuf = pltpu.async_copy(zeros_hbm, zbuf, semB)
    o_cw = jnp.where(s == 15, E_WD - CW, s * CW)
    d_is = pltpu.async_copy(wd_src.at[pl.ds(o_cw, CW)], ibufS, semC)
    d_id = pltpu.async_copy(wd_dst.at[pl.ds(o_cw, CW)], ibufD, semC)
    o_ct = jnp.where(s == 15, E_TD - CT, s * CT)
    d_ts = pltpu.async_copy(td_src.at[pl.ds(o_ct, CT)], tbufS, semC)
    d_td = pltpu.async_copy(td_dst.at[pl.ds(o_ct, CT)], tbufD, semC)
    o_bw = jnp.where(w == 31, E_WD - EW, w * EW)
    d_js = pltpu.async_copy(wd_src.at[pl.ds(o_bw, EW)], jbufS, semD)
    d_jd1 = pltpu.async_copy(wd_dst.at[pl.ds(o_bw, EW // 2)], jbufD1, semD)
    d_jd2 = pltpu.async_copy(wd_dst.at[pl.ds(o_bw + EW // 2, EW // 2)], jbufD2, semD)
    o_bt = jnp.where(w == 31, E_TD - ET, w * ET)
    d_ks = pltpu.async_copy(td_src.at[pl.ds(o_bt, ET)], kbufS, semD)
    d_kd = pltpu.async_copy(td_dst.at[pl.ds(o_bt, ET)], kbufD, semD)
    o_nw = jnp.where(s == 15, N_WORD - NW_CH, s * NW_CH)
    d_gi = pltpu.async_copy(word_ids.at[pl.ds(o_nw, NW_CH)], gidx, semE)
    o_nt = jnp.minimum(s * NT_CH, N_TOPIC - NT_CH)
    d_gt = pltpu.async_copy(topic_ids.at[pl.ds(o_nt, NT_CH)], gidx_t, semE)

    d_zbuf.wait()
    z1 = pltpu.async_copy(zbuf, cnt_ow.at[pl.ds(s * 2560, 2560)], semB)
    z2 = pltpu.async_copy(zbuf.at[pl.ds(0, 208)], cnt_iw.at[pl.ds(s * 208, 208)], semB)
    z3 = pltpu.async_copy(zbuf.at[pl.ds(0, 64)], cnt_ot.at[pl.ds(s * 64, 64)], semB)
    z4 = pltpu.async_copy(zbuf.at[pl.ds(0, 208)], cnt_it.at[pl.ds(s * 208, 208)], semB)
    z5 = pltpu.async_copy(zbuf.at[pl.ds(0, 208)], m_wd.at[pl.ds(s * 208, 208)], semB)
    z6 = pltpu.async_copy(zbuf.at[pl.ds(0, 208)], m_td.at[pl.ds(s * 208, 208)], semB)
    for z in (z1, z2, z3, z4, z5, z6):
        z.wait()

    d_gi.wait()
    d_gt.wait()

    def _sh16(i, _):
        gidx[pl.ds(i * 16, 16)] = lax.shift_left(gidx[pl.ds(i * 16, 16)], 7)
        return 0
    lax.fori_loop(0, NW_CH // 16, _sh16, 0)

    def _sht16(i, _):
        gidx_t[pl.ds(i * 16, 16)] = lax.shift_left(gidx_t[pl.ds(i * 16, 16)], 7)
        return 0
    lax.fori_loop(0, NT_CH // 16, _sht16, 0)
    d_uw = pltpu.async_copy(uws.at[gidx], gbuf, semE)
    d_ut = pltpu.async_copy(uts.at[gidx_t], gbuf_t, semE)
    plsc.subcore_barrier()

    for d in (d_is, d_id, d_ts, d_td, d_ones, d_onest):
        d.wait()

    @pl.when(s == 15)
    def _():
        _fill_i32(ibufS, 0, 704, OW - 1)
        _fill_i32(ibufD, 0, 704, ND - 1)
        _fill_i32(tbufS, 0, 480, OT - 1)
        _fill_i32(tbufD, 0, 480, ND - 1)

    s1 = pltpu.async_copy(ones, cnt_ow.at[ibufS], semC, add=True)
    s3 = pltpu.async_copy(ones_t, cnt_ot.at[tbufS], semC, add=True)
    s1.wait()
    s3.wait()
    plsc.subcore_barrier()

    s2 = pltpu.async_copy(ones, cnt_iw.at[ibufD], semC, add=True)
    s4 = pltpu.async_copy(ones_t, cnt_it.at[tbufD], semC, add=True)

    d_cb = pltpu.async_copy(cnt_ow.at[pl.ds(o_nw, NW_CH)], cbuf, semB)
    d_cbt = pltpu.async_copy(cnt_ot.at[pl.ds(o_nt, NT_CH)], cbuf_t, semB)
    d_uw.wait()
    d_ut.wait()
    d_cb.wait()
    d_cbt.wait()

    def _nv16(i, _):
        cnt = jnp.maximum(cbuf[pl.ds(i * 16, 16)], 1.0)
        nbuf[pl.ds(i * 16, 16)] = _rsqrt16(cnt) * gbuf[pl.ds(i * 16, 16)]
        return 0
    lax.fori_loop(0, NW_CH // 16, _nv16, 0)

    def _nvt16(i, _):
        cnt = jnp.maximum(cbuf_t[pl.ds(i * 16, 16)], 1.0)
        nbuf_t[pl.ds(i * 16, 16)] = _rsqrt16(cnt) * gbuf_t[pl.ds(i * 16, 16)]
        return 0
    lax.fori_loop(0, NT_CH // 16, _nvt16, 0)
    d_nv = pltpu.async_copy(nbuf, nv_w.at[pl.ds(o_nw, NW_CH)], semB)
    d_nvt = pltpu.async_copy(nbuf_t, nv_t.at[pl.ds(o_nt, NT_CH)], semB)
    d_nv.wait()
    d_nvt.wait()
    plsc.subcore_barrier()

    for d in (d_js, d_jd1, d_jd2, d_ks, d_kd):
        d.wait()

    @pl.when(w == 31)
    def _():
        _fill_i32(jbufS, 0, 704, OW - 1)
        _fill_i32(jbufD1, 0, 704, ND - 1)
        _fill_i32(kbufS, 0, 480, OT - 1)
        _fill_i32(kbufD, 0, 480, ND - 1)

    g1a = pltpu.async_copy(nv_w.at[jbufS.at[pl.ds(0, EW // 2)]], vbufA, semD)
    g1b = pltpu.async_copy(nv_w.at[jbufS.at[pl.ds(EW // 2, EW // 2)]], vbufB, semD)
    g2 = pltpu.async_copy(nv_t.at[kbufS], vbuf_t, semD)
    g1a.wait()
    x1a = pltpu.async_copy(vbufA, m_wd.at[jbufD1], semD, add=True)
    g1b.wait()
    x1b = pltpu.async_copy(vbufB, m_wd.at[jbufD2], semD, add=True)
    g2.wait()
    x2 = pltpu.async_copy(vbuf_t, m_td.at[kbufD], semD, add=True)
    x1a.wait()
    x1b.wait()
    x2.wait()
    s2.wait()
    s4.wait()
    plsc.subcore_barrier()

    base = s * 200
    r1 = pltpu.async_copy(m_wd.at[pl.ds(base, 208)], mw, semB)
    r2 = pltpu.async_copy(m_td.at[pl.ds(base, 208)], mt, semB)
    r3 = pltpu.async_copy(cnt_iw.at[pl.ds(base, 208)], ciw, semB)
    r4 = pltpu.async_copy(cnt_it.at[pl.ds(base, 208)], cit, semB)
    for d in (r1, r2, r3, r4):
        d.wait()
    lane = lax.iota(jnp.int32, 16)

    def _dot16(j, acc):
        cw = jnp.maximum(ciw[pl.ds(j * 16, 16)], 1.0)
        ct = jnp.maximum(cit[pl.ds(j * 16, 16)], 1.0)
        v = mw[pl.ds(j * 16, 16)] * _rsqrt16(cw) + mt[pl.ds(j * 16, 16)] * _rsqrt16(ct)
        return acc + jnp.where(j * 16 + lane < 200, v, 0.0)
    acc = lax.fori_loop(0, 13, _dot16, jnp.zeros((16,), jnp.float32))
    accbuf[...] = acc
    pltpu.sync_copy(accbuf, out.at[pl.ds(w * 16, 16)])



def _k3_body(p_ref, y_ref, bw_ref, bt_ref, ow_ref, ob_ref, loss_ref, pred_ref):
    dsum = jnp.sum(p_ref[...], axis=0, keepdims=True)
    bias = jnp.sum((bw_ref[...] + bt_ref[...]) * ow_ref[...].T) + ob_ref[0, 0]
    logits = dsum / 200.0 + bias
    y = y_ref[...]
    loss_ref[...] = jnp.mean(
        jnp.maximum(logits, 0.0) - logits * y
        + jnp.log(1.0 + jnp.exp(-jnp.abs(logits))), keepdims=True).reshape(1, 1)
    pred_ref[...] = 1.0 / (1.0 + jnp.exp(-logits))


def kernel(word_ids, topic_ids, wd_src, wd_dst, ww_src, ww_dst, wt_src, wt_dst,
           td_src, td_dst, tt_src, tt_dst, y_data, word_embeds, topic_embeds,
           W_wt, b_wt, W_ww, b_ww, W_wd, b_wd, W_td, b_td, W_tt, b_tt, out_W, out_b):
    f32, i32 = jnp.float32, jnp.int32

    uws, uts = pl.pallas_call(
        _k1_body,
        grid=(5,),
        in_specs=[pl.BlockSpec((3072, H), lambda i: (i, 0)),
                  pl.BlockSpec((NUM_TOPIC, H), lambda i: (0, 0)),
                  pl.BlockSpec((H, H), lambda i: (0, 0)),
                  pl.BlockSpec((H, H), lambda i: (0, 0)),
                  pl.BlockSpec((H, 1), lambda i: (0, 0))],
        out_specs=[pl.BlockSpec((3072, H), lambda i: (i, 0)),
                   pl.BlockSpec((NUM_TOPIC, H), lambda i: (0, 0))],
        out_shape=[jax.ShapeDtypeStruct((VOCAB, H), f32),
                   jax.ShapeDtypeStruct((NUM_TOPIC, H), f32)],
    )(word_embeds, topic_embeds, W_wd, W_td, out_W)
    uws = uws.reshape(VOCAB * H)
    uts = uts.reshape(NUM_TOPIC * H)

    ones_hbm = jnp.ones((CW,), f32)
    zeros_hbm = jnp.zeros((2560,), f32)

    mesh = plsc.VectorSubcoreMesh(core_axis_name="c", subcore_axis_name="s")
    partial = pl.kernel(
        _sc_body,
        out_type=jax.ShapeDtypeStruct((512,), f32),
        mesh=mesh,
        scratch_types=[
            pltpu.VMEM_SHARED((OW,), f32),
            pltpu.VMEM_SHARED((ND,), f32),
            pltpu.VMEM_SHARED((OT,), f32),
            pltpu.VMEM_SHARED((ND,), f32),
            pltpu.VMEM_SHARED((ND,), f32),
            pltpu.VMEM_SHARED((ND,), f32),
            pltpu.VMEM_SHARED((OW,), f32),
            pltpu.VMEM_SHARED((OT,), f32),
            pltpu.VMEM((2560,), f32),
            pltpu.VMEM((CW,), f32),
            pltpu.VMEM((CT,), f32),
            pltpu.VMEM((CW,), i32),
            pltpu.VMEM((CW,), i32),
            pltpu.VMEM((CT,), i32),
            pltpu.VMEM((CT,), i32),
            pltpu.VMEM((EW,), i32),
            pltpu.VMEM((EW // 2,), i32),
            pltpu.VMEM((EW // 2,), i32),
            pltpu.VMEM((ET,), i32),
            pltpu.VMEM((ET,), i32),
            pltpu.VMEM((EW // 2,), f32),
            pltpu.VMEM((EW // 2,), f32),
            pltpu.VMEM((ET,), f32),
            pltpu.VMEM((NW_CH,), i32),
            pltpu.VMEM((NW_CH,), f32),
            pltpu.VMEM((NW_CH,), f32),
            pltpu.VMEM((NW_CH,), f32),
            pltpu.VMEM((NT_CH,), i32),
            pltpu.VMEM((NT_CH,), f32),
            pltpu.VMEM((NT_CH,), f32),
            pltpu.VMEM((NT_CH,), f32),
            pltpu.VMEM((208,), f32),
            pltpu.VMEM((208,), f32),
            pltpu.VMEM((208,), f32),
            pltpu.VMEM((208,), f32),
            pltpu.VMEM((16,), f32),
            pltpu.SemaphoreType.DMA,
            pltpu.SemaphoreType.DMA,
            pltpu.SemaphoreType.DMA,
            pltpu.SemaphoreType.DMA,
            pltpu.SemaphoreType.DMA,
        ],
    )(wd_src, wd_dst, td_src, td_dst, word_ids, topic_ids,
      uws, uts, ones_hbm, zeros_hbm)

    loss, pred = pl.pallas_call(
        _k3_body,
        out_shape=[jax.ShapeDtypeStruct((1, 1), f32),
                   jax.ShapeDtypeStruct((1, B), f32)],
    )(partial.reshape(32, 16), y_data.reshape(1, B), b_wd.reshape(1, H),
      b_td.reshape(1, H), out_W, out_b.reshape(1, 1))

    return loss.reshape(()), pred.reshape(B, 1)

# --- scband reference (transcript-rebuilt; emitter-appended) ---
"""Pipeline reference for scband-static-heto-graph-45732811768428 (READ-ONLY COPY).

The authoritative reference and input builder live on the scoring server;
editing this copy changes nothing except your own understanding.
"""

import jax, jax.numpy as jnp
import numpy as np

N_WORD = 40000
N_TOPIC = 800
N_DOC = 3200
B = 16
H = 128
VOCAB = 15000
NUM_TOPIC = 50


def _graph_conv(x_src, src, dst, n_src, n_dst, W, b):
    # DGL GraphConv with norm='both', weight=True, bias=True
    ones = jnp.ones(src.shape[0], dtype=x_src.dtype)
    deg_out = jnp.clip(jax.ops.segment_sum(ones, src, num_segments=n_src), 1.0, None)
    deg_in = jnp.clip(jax.ops.segment_sum(ones, dst, num_segments=n_dst), 1.0, None)
    h = x_src * (deg_out ** -0.5)[:, None]
    h = h @ W
    m = jax.ops.segment_sum(h[src], dst, num_segments=n_dst)
    return m * (deg_in ** -0.5)[:, None] + b


def _bce_with_logits(logits, targets):
    return jnp.mean(jnp.clip(logits, 0.0, None) - logits * targets + jnp.log1p(jnp.exp(-jnp.abs(logits))))


def setup_inputs(seed: int = 0):
    key = jax.random.key(seed)
    ks = jax.random.split(key, 32)

    def ri(k, n, hi):
        return jax.random.randint(k, (n,), 0, hi, dtype=jnp.int32)

    inp = {}
    inp['word_ids'] = ri(ks[0], N_WORD, VOCAB)
    inp['topic_ids'] = ri(ks[1], N_TOPIC, NUM_TOPIC)
    inp['wd_src'] = ri(ks[2], 200000, N_WORD)
    inp['wd_dst'] = ri(ks[3], 200000, N_DOC)
    inp['ww_src'] = ri(ks[4], 300000, N_WORD)
    inp['ww_dst'] = ri(ks[5], 300000, N_WORD)
    inp['wt_src'] = ri(ks[6], 80000, N_WORD)
    inp['wt_dst'] = ri(ks[7], 80000, N_TOPIC)
    inp['td_src'] = ri(ks[8], 20000, N_TOPIC)
    inp['td_dst'] = ri(ks[9], 20000, N_DOC)
    inp['tt_src'] = ri(ks[10], 5000, N_TOPIC)
    inp['tt_dst'] = ri(ks[11], 5000, N_TOPIC)
    inp['y_data'] = jax.random.uniform(ks[12], (B,), dtype=jnp.float32)
    s = (2.0 / (2 * H)) ** 0.5
    inp['word_embeds'] = jax.random.normal(ks[13], (VOCAB, H), dtype=jnp.float32) * 0.02
    inp['topic_embeds'] = jax.random.normal(ks[14], (NUM_TOPIC, H), dtype=jnp.float32) * s
    for i, name in enumerate(['wt', 'ww', 'wd', 'td', 'tt']):
        inp['W_' + name] = jax.random.normal(ks[15 + i], (H, H), dtype=jnp.float32) * s
        inp['b_' + name] = jnp.zeros((H,), dtype=jnp.float32)
    inp['out_W'] = jax.random.normal(ks[20], (H, 1), dtype=jnp.float32) * 0.05
    inp['out_b'] = jnp.zeros((1,), dtype=jnp.float32)
    return inp


def reference(word_ids, topic_ids, wd_src, wd_dst, ww_src, ww_dst, wt_src, wt_dst,
              td_src, td_dst, tt_src, tt_dst, y_data, word_embeds, topic_embeds,
              W_wt, b_wt, W_ww, b_ww, W_wd, b_wd, W_td, b_td, W_tt, b_tt, out_W, out_b):
    # embedding lookups (gather)
    word_emb = word_embeds[word_ids]
    topic_emb = topic_embeds[topic_ids]
    # HeteroGraphConv with aggregate='sum': sum conv outputs per destination type
    topic_out = (_graph_conv(word_emb, wt_src, wt_dst, N_WORD, N_TOPIC, W_wt, b_wt)
                 + _graph_conv(topic_emb, tt_src, tt_dst, N_TOPIC, N_TOPIC, W_tt, b_tt))
    word_out = _graph_conv(word_emb, ww_src, ww_dst, N_WORD, N_WORD, W_ww, b_ww)
    doc_emb = (_graph_conv(word_emb, wd_src, wd_dst, N_WORD, N_DOC, W_wd, b_wd)
               + _graph_conv(topic_emb, td_src, td_dst, N_TOPIC, N_DOC, W_td, b_td))
    # batch of B equal-sized graphs: pad + mean(1) == reshape + mean(1)
    doc_pool = doc_emb.reshape(B, N_DOC // B, H).mean(axis=1)
    logits = doc_pool @ out_W + out_b
    loss = _bce_with_logits(logits.reshape(-1), y_data)
    y_pred = jax.nn.sigmoid(logits)
    return (loss, y_pred)

if __name__ == "__main__":
    import jax
    _d = setup_inputs()
    print(jax.jit(kernel)(*tuple(_d.values())))

</pallas_src>

<mosaic_0001>
#map = affine_map<(d0, d1) -> (0)>
module attributes {stable_mosaic.version = 14 : i64} {
  func.func @_sc_body(%arg0: i32, %arg1: i32, %arg2: memref<200000xi32, #tpu.memory_space<hbm>>, %arg3: memref<200000xi32, #tpu.memory_space<hbm>>, %arg4: memref<20000xi32, #tpu.memory_space<hbm>>, %arg5: memref<20000xi32, #tpu.memory_space<hbm>>, %arg6: memref<40000xi32, #tpu.memory_space<hbm>>, %arg7: memref<800xi32, #tpu.memory_space<hbm>>, %arg8: memref<1920000xf32, #tpu.memory_space<hbm>>, %arg9: memref<6400xf32, #tpu.memory_space<hbm>>, %arg10: memref<12544xf32, #tpu.memory_space<hbm>>, %arg11: memref<2560xf32, #tpu.memory_space<hbm>>, %arg12: memref<512xf32, #tpu.memory_space<hbm>>, %arg13: memref<40960xf32, #tpu.memory_space<vmem_shared>>, %arg14: memref<3328xf32, #tpu.memory_space<vmem_shared>>, %arg15: memref<1024xf32, #tpu.memory_space<vmem_shared>>, %arg16: memref<3328xf32, #tpu.memory_space<vmem_shared>>, %arg17: memref<3328xf32, #tpu.memory_space<vmem_shared>>, %arg18: memref<3328xf32, #tpu.memory_space<vmem_shared>>, %arg19: memref<40960xf32, #tpu.memory_space<vmem_shared>>, %arg20: memref<1024xf32, #tpu.memory_space<vmem_shared>>, %arg21: memref<2560xf32, #tpu.memory_space<vmem>>, %arg22: memref<12544xf32, #tpu.memory_space<vmem>>, %arg23: memref<1280xf32, #tpu.memory_space<vmem>>, %arg24: memref<12544xi32, #tpu.memory_space<vmem>>, %arg25: memref<12544xi32, #tpu.memory_space<vmem>>, %arg26: memref<1280xi32, #tpu.memory_space<vmem>>, %arg27: memref<1280xi32, #tpu.memory_space<vmem>>, %arg28: memref<6272xi32, #tpu.memory_space<vmem>>, %arg29: memref<3136xi32, #tpu.memory_space<vmem>>, %arg30: memref<3136xi32, #tpu.memory_space<vmem>>, %arg31: memref<640xi32, #tpu.memory_space<vmem>>, %arg32: memref<640xi32, #tpu.memory_space<vmem>>, %arg33: memref<3136xf32, #tpu.memory_space<vmem>>, %arg34: memref<3136xf32, #tpu.memory_space<vmem>>, %arg35: memref<640xf32, #tpu.memory_space<vmem>>, %arg36: memref<2560xi32, #tpu.memory_space<vmem>>, %arg37: memref<2560xf32, #tpu.memory_space<vmem>>, %arg38: memref<2560xf32, #tpu.memory_space<vmem>>, %arg39: memref<2560xf32, #tpu.memory_space<vmem>>, %arg40: memref<64xi32, #tpu.memory_space<vmem>>, %arg41: memref<64xf32, #tpu.memory_space<vmem>>, %arg42: memref<64xf32, #tpu.memory_space<vmem>>, %arg43: memref<64xf32, #tpu.memory_space<vmem>>, %arg44: memref<208xf32, #tpu.memory_space<vmem>>, %arg45: memref<208xf32, #tpu.memory_space<vmem>>, %arg46: memref<208xf32, #tpu.memory_space<vmem>>, %arg47: memref<208xf32, #tpu.memory_space<vmem>>, %arg48: memref<16xf32, #tpu.memory_space<vmem>>, %arg49: memref<!tpu.dma_semaphore, #tpu.memory_space<semaphore_mem>>, %arg50: memref<!tpu.dma_semaphore, #tpu.memory_space<semaphore_mem>>, %arg51: memref<!tpu.dma_semaphore, #tpu.memory_space<semaphore_mem>>, %arg52: memref<!tpu.dma_semaphore, #tpu.memory_space<semaphore_mem>>, %arg53: memref<!tpu.dma_semaphore, #tpu.memory_space<semaphore_mem>>) attributes {dimension_semantics = [#tpu.dimension_semantics<core_parallel>, #tpu.dimension_semantics<subcore_parallel>], iteration_bounds = array<i64: 2, 16>, scalar_prefetch = 0 : i64, scratch_operands = 41 : i64, tpu.core_type = #tpu.core_type<sc_vector_subcore>, window_params = [{transform_indices = #map}, {transform_indices = #map}, {transform_indices = #map}, {transform_indices = #map}, {transform_indices = #map}, {transform_indices = #map}, {transform_indices = #map}, {transform_indices = #map}, {transform_indices = #map}, {transform_indices = #map}, {transform_indices = #map}]} {
    %mul3A = arith.constant 16 : i32
    %mul3A_0 = arith.muli %arg0, %mul3A : i32
    %add3A = arith.addi %mul3A_0, %arg1 : i32
    tpu.enqueue_dma source(%arg10 : memref<12544xf32, #tpu.memory_space<hbm>>) target(%arg22 : memref<12544xf32, #tpu.memory_space<vmem>>) target_semaphore(%arg49 : memref<!tpu.dma_semaphore, #tpu.memory_space<semaphore_mem>>)
    %dma_start3A = arith.constant 0 : i32
    %dma_start3A_1 = tpu.memref_slice %arg10[%dma_start3A] : memref<12544xf32, #tpu.memory_space<hbm>> -> memref<1280xf32, #tpu.memory_space<hbm>>
    %dma_start3A_2 = arith.constant 0 : i32
    %dma_start3A_3 = tpu.memref_slice %arg10[%dma_start3A_2] : memref<12544xf32, #tpu.memory_space<hbm>> -> memref<1280xf32, #tpu.memory_space<hbm>>
    tpu.enqueue_dma source(%dma_start3A_3 : memref<1280xf32, #tpu.memory_space<hbm>>) target(%arg23 : memref<1280xf32, #tpu.memory_space<vmem>>) target_semaphore(%arg49 : memref<!tpu.dma_semaphore, #tpu.memory_space<semaphore_mem>>)
    tpu.enqueue_dma source(%arg11 : memref<2560xf32, #tpu.memory_space<hbm>>) target(%arg21 : memref<2560xf32, #tpu.memory_space<vmem>>) target_semaphore(%arg50 : memref<!tpu.dma_semaphore, #tpu.memory_space<semaphore_mem>>)
    %eq3A = arith.constant 15 : i32
    %eq3A_4 = arith.cmpi eq, %arg1, %eq3A : i32
    %mul3A_5 = arith.constant 12544 : i32
    %mul3A_6 = arith.muli %arg1, %mul3A_5 : i32
    %jit3A = arith.constant 187456 : i32
    %select_n3A = arith.select %eq3A_4, %jit3A, %mul3A_6 : i32
    %dma_start3A_7 = tpu.memref_slice %arg2[%select_n3A] : memref<200000xi32, #tpu.memory_space<hbm>> -> memref<12544xi32, #tpu.memory_space<hbm>>
    %dma_start3A_8 = tpu.memref_slice %arg2[%select_n3A] : memref<200000xi32, #tpu.memory_space<hbm>> -> memref<12544xi32, #tpu.memory_space<hbm>>
    tpu.enqueue_dma source(%dma_start3A_8 : memref<12544xi32, #tpu.memory_space<hbm>>) target(%arg24 : memref<12544xi32, #tpu.memory_space<vmem>>) target_semaphore(%arg51 : memref<!tpu.dma_semaphore, #tpu.memory_space<semaphore_mem>>)
    %dma_start3A_9 = tpu.memref_slice %arg3[%select_n3A] : memref<200000xi32, #tpu.memory_space<hbm>> -> memref<12544xi32, #tpu.memory_space<hbm>>
    %dma_start3A_10 = tpu.memref_slice %arg3[%select_n3A] : memref<200000xi32, #tpu.memory_space<hbm>> -> memref<12544xi32, #tpu.memory_space<hbm>>
    tpu.enqueue_dma source(%dma_start3A_10 : memref<12544xi32, #tpu.memory_space<hbm>>) target(%arg25 : memref<12544xi32, #tpu.memory_space<vmem>>) target_semaphore(%arg51 : memref<!tpu.dma_semaphore, #tpu.memory_space<semaphore_mem>>)
    %eq3A_11 = arith.constant 15 : i32
    %eq3A_12 = arith.cmpi eq, %arg1, %eq3A_11 : i32
    %mul3A_13 = arith.constant 1280 : i32
    %mul3A_14 = arith.muli %arg1, %mul3A_13 : i32
    %jit3A_15 = arith.constant 18720 : i32
    %select_n3A_16 = arith.select %eq3A_12, %jit3A_15, %mul3A_14 : i32
    %dma_start3A_17 = tpu.memref_slice %arg4[%select_n3A_16] : memref<20000xi32, #tpu.memory_space<hbm>> -> memref<1280xi32, #tpu.memory_space<hbm>>
    %dma_start3A_18 = tpu.memref_slice %arg4[%select_n3A_16] : memref<20000xi32, #tpu.memory_space<hbm>> -> memref<1280xi32, #tpu.memory_space<hbm>>
    tpu.enqueue_dma source(%dma_start3A_18 : memref<1280xi32, #tpu.memory_space<hbm>>) target(%arg26 : memref<1280xi32, #tpu.memory_space<vmem>>) target_semaphore(%arg51 : memref<!tpu.dma_semaphore, #tpu.memory_space<semaphore_mem>>)
    %dma_start3A_19 = tpu.memref_slice %arg5[%select_n3A_16] : memref<20000xi32, #tpu.memory_space<hbm>> -> memref<1280xi32, #tpu.memory_space<hbm>>
    %dma_start3A_20 = tpu.memref_slice %arg5[%select_n3A_16] : memref<20000xi32, #tpu.memory_space<hbm>> -> memref<1280xi32, #tpu.memory_space<hbm>>
    tpu.enqueue_dma source(%dma_start3A_20 : memref<1280xi32, #tpu.memory_space<hbm>>) target(%arg27 : memref<1280xi32, #tpu.memory_space<vmem>>) target_semaphore(%arg51 : memref<!tpu.dma_semaphore, #tpu.memory_space<semaphore_mem>>)
    %eq3A_21 = arith.constant 31 : i32
    %eq3A_22 = arith.cmpi eq, %add3A, %eq3A_21 : i32
    %mul3A_23 = arith.constant 6272 : i32
    %mul3A_24 = arith.muli %add3A, %mul3A_23 : i32
    %jit3A_25 = arith.constant 193728 : i32
    %select_n3A_26 = arith.select %eq3A_22, %jit3A_25, %mul3A_24 : i32
    %dma_start3A_27 = tpu.memref_slice %arg2[%select_n3A_26] : memref<200000xi32, #tpu.memory_space<hbm>> -> memref<6272xi32, #tpu.memory_space<hbm>>
    %dma_start3A_28 = tpu.memref_slice %arg2[%select_n3A_26] : memref<200000xi32, #tpu.memory_space<hbm>> -> memref<6272xi32, #tpu.memory_space<hbm>>
    tpu.enqueue_dma source(%dma_start3A_28 : memref<6272xi32, #tpu.memory_space<hbm>>) target(%arg28 : memref<6272xi32, #tpu.memory_space<vmem>>) target_semaphore(%arg52 : memref<!tpu.dma_semaphore, #tpu.memory_space<semaphore_mem>>)
    %dma_start3A_29 = tpu.memref_slice %arg3[%select_n3A_26] : memref<200000xi32, #tpu.memory_space<hbm>> -> memref<3136xi32, #tpu.memory_space<hbm>>
    %dma_start3A_30 = tpu.memref_slice %arg3[%select_n3A_26] : memref<200000xi32, #tpu.memory_space<hbm>> -> memref<3136xi32, #tpu.memory_space<hbm>>
    tpu.enqueue_dma source(%dma_start3A_30 : memref<3136xi32, #tpu.memory_space<hbm>>) target(%arg29 : memref<3136xi32, #tpu.memory_space<vmem>>) target_semaphore(%arg52 : memref<!tpu.dma_semaphore, #tpu.memory_space<semaphore_mem>>)
    %add3A_31 = arith.constant 3136 : i32
    %add3A_32 = arith.addi %select_n3A_26, %add3A_31 : i32
    %dma_start3A_33 = tpu.memref_slice %arg3[%add3A_32] : memref<200000xi32, #tpu.memory_space<hbm>> -> memref<3136xi32, #tpu.memory_space<hbm>>
    %dma_start3A_34 = tpu.memref_slice %arg3[%add3A_32] : memref<200000xi32, #tpu.memory_space<hbm>> -> memref<3136xi32, #tpu.memory_space<hbm>>
    tpu.enqueue_dma source(%dma_start3A_34 : memref<3136xi32, #tpu.memory_space<hbm>>) target(%arg30 : memref<3136xi32, #tpu.memory_space<vmem>>) target_semaphore(%arg52 : memref<!tpu.dma_semaphore, #tpu.memory_space<semaphore_mem>>)
    %eq3A_35 = arith.constant 31 : i32
    %eq3A_36 = arith.cmpi eq, %add3A, %eq3A_35 : i32
    %mul3A_37 = arith.constant 640 : i32
    %mul3A_38 = arith.muli %add3A, %mul3A_37 : i32
    %jit3A_39 = arith.constant 19360 : i32
    %select_n3A_40 = arith.select %eq3A_36, %jit3A_39, %mul3A_38 : i32
    %dma_start3A_41 = tpu.memref_slice %arg4[%select_n3A_40] : memref<20000xi32, #tpu.memory_space<hbm>> -> memref<640xi32, #tpu.memory_space<hbm>>
    %dma_start3A_42 = tpu.memref_slice %arg4[%select_n3A_40] : memref<20000xi32, #tpu.memory_space<hbm>> -> memref<640xi32, #tpu.memory_space<hbm>>
    tpu.enqueue_dma source(%dma_start3A_42 : memref<640xi32, #tpu.memory_space<hbm>>) target(%arg31 : memref<640xi32, #tpu.memory_space<vmem>>) target_semaphore(%arg52 : memref<!tpu.dma_semaphore, #tpu.memory_space<semaphore_mem>>)
    %dma_start3A_43 = tpu.memref_slice %arg5[%select_n3A_40] : memref<20000xi32, #tpu.memory_space<hbm>> -> memref<640xi32, #tpu.memory_space<hbm>>
    %dma_start3A_44 = tpu.memref_slice %arg5[%select_n3A_40] : memref<20000xi32, #tpu.memory_space<hbm>> -> memref<640xi32, #tpu.memory_space<hbm>>
    tpu.enqueue_dma source(%dma_start3A_44 : memref<640xi32, #tpu.memory_space<hbm>>) target(%arg32 : memref<640xi32, #tpu.memory_space<vmem>>) target_semaphore(%arg52 : memref<!tpu.dma_semaphore, #tpu.memory_space<semaphore_mem>>)
    %eq3A_45 = arith.constant 15 : i32
    %eq3A_46 = arith.cmpi eq, %arg1, %eq3A_45 : i32
    %mul3A_47 = arith.constant 2560 : i32
    %mul3A_48 = arith.muli %arg1, %mul3A_47 : i32
    %jit3A_49 = arith.constant 37440 : i32
    %select_n3A_50 = arith.select %eq3A_46, %jit3A_49, %mul3A_48 : i32
    %dma_start3A_51 = tpu.memref_slice %arg6[%select_n3A_50] : memref<40000xi32, #tpu.memory_space<hbm>> -> memref<2560xi32, #tpu.memory_space<hbm>>
    %dma_start3A_52 = tpu.memref_slice %arg6[%select_n3A_50] : memref<40000xi32, #tpu.memory_space<hbm>> -> memref<2560xi32, #tpu.memory_space<hbm>>
    tpu.enqueue_dma source(%dma_start3A_52 : memref<2560xi32, #tpu.memory_space<hbm>>) target(%arg36 : memref<2560xi32, #tpu.memory_space<vmem>>) target_semaphore(%arg53 : memref<!tpu.dma_semaphore, #tpu.memory_space<semaphore_mem>>)
    %mul3A_53 = arith.constant 64 : i32
    %mul3A_54 = arith.muli %arg1, %mul3A_53 : i32
    %min3A = arith.constant 736 : i32
    %min3A_55 = arith.minsi %mul3A_54, %min3A : i32
    %dma_start3A_56 = tpu.memref_slice %arg7[%min3A_55] : memref<800xi32, #tpu.memory_space<hbm>> -> memref<64xi32, #tpu.memory_space<hbm>>
    %dma_start3A_57 = tpu.memref_slice %arg7[%min3A_55] : memref<800xi32, #tpu.memory_space<hbm>> -> memref<64xi32, #tpu.memory_space<hbm>>
    tpu.enqueue_dma source(%dma_start3A_57 : memref<64xi32, #tpu.memory_space<hbm>>) target(%arg40 : memref<64xi32, #tpu.memory_space<vmem>>) target_semaphore(%arg53 : memref<!tpu.dma_semaphore, #tpu.memory_space<semaphore_mem>>)
    tpu.wait_dma2 semaphore(%arg50 : memref<!tpu.dma_semaphore, #tpu.memory_space<semaphore_mem>>) src(%arg11 : memref<2560xf32, #tpu.memory_space<hbm>>) dst(%arg21 : memref<2560xf32, #tpu.memory_space<vmem>>)
    %mul3A_58 = arith.constant 2560 : i32
    %mul3A_59 = arith.muli %arg1, %mul3A_58 : i32
    %dma_start3A_60 = tpu.memref_slice %arg13[%mul3A_59] : memref<40960xf32, #tpu.memory_space<vmem_shared>> -> memref<2560xf32, #tpu.memory_space<vmem_shared>>
    %dma_start3A_61 = tpu.memref_slice %arg13[%mul3A_59] : memref<40960xf32, #tpu.memory_space<vmem_shared>> -> memref<2560xf32, #tpu.memory_space<vmem_shared>>
    tpu.enqueue_dma source(%arg21 : memref<2560xf32, #tpu.memory_space<vmem>>) target(%dma_start3A_61 : memref<2560xf32, #tpu.memory_space<vmem_shared>>) target_semaphore(%arg50 : memref<!tpu.dma_semaphore, #tpu.memory_space<semaphore_mem>>)
    %mul3A_62 = arith.constant 208 : i32
    %mul3A_63 = arith.muli %arg1, %mul3A_62 : i32
    %dma_start3A_64 = arith.constant 0 : i32
    %dma_start3A_65 = tpu.memref_slice %arg21[%dma_start3A_64] : memref<2560xf32, #tpu.memory_space<vmem>> -> memref<208xf32, #tpu.memory_space<vmem>>
    %dma_start3A_66 = tpu.memref_slice %arg14[%mul3A_63] : memref<3328xf32, #tpu.memory_space<vmem_shared>> -> memref<208xf32, #tpu.memory_space<vmem_shared>>
    %dma_start3A_67 = tpu.memref_slice %arg14[%mul3A_63] : memref<3328xf32, #tpu.memory_space<vmem_shared>> -> memref<208xf32, #tpu.memory_space<vmem_shared>>
    %dma_start3A_68 = arith.constant 0 : i32
    %dma_start3A_69 = tpu.memref_slice %arg21[%dma_start3A_68] : memref<2560xf32, #tpu.memory_space<vmem>> -> memref<208xf32, #tpu.memory_space<vmem>>
    tpu.enqueue_dma source(%dma_start3A_69 : memref<208xf32, #tpu.memory_space<vmem>>) target(%dma_start3A_67 : memref<208xf32, #tpu.memory_space<vmem_shared>>) target_semaphore(%arg50 : memref<!tpu.dma_semaphore, #tpu.memory_space<semaphore_mem>>)
    %mul3A_70 = arith.constant 64 : i32
    %mul3A_71 = arith.muli %arg1, %mul3A_70 : i32
    %dma_start3A_72 = arith.constant 0 : i32
    %dma_start3A_73 = tpu.memref_slice %arg21[%dma_start3A_72] : memref<2560xf32, #tpu.memory_space<vmem>> -> memref<64xf32, #tpu.memory_space<vmem>>
    %dma_start3A_74 = tpu.memref_slice %arg15[%mul3A_71] : memref<1024xf32, #tpu.memory_space<vmem_shared>> -> memref<64xf32, #tpu.memory_space<vmem_shared>>
    %dma_start3A_75 = tpu.memref_slice %arg15[%mul3A_71] : memref<1024xf32, #tpu.memory_space<vmem_shared>> -> memref<64xf32, #tpu.memory_space<vmem_shared>>
    %dma_start3A_76 = arith.constant 0 : i32
    %dma_start3A_77 = tpu.memref_slice %arg21[%dma_start3A_76] : memref<2560xf32, #tpu.memory_space<vmem>> -> memref<64xf32, #tpu.memory_space<vmem>>
    tpu.enqueue_dma source(%dma_start3A_77 : memref<64xf32, #tpu.memory_space<vmem>>) target(%dma_start3A_75 : memref<64xf32, #tpu.memory_space<vmem_shared>>) target_semaphore(%arg50 : memref<!tpu.dma_semaphore, #tpu.memory_space<semaphore_mem>>)
    %mul3A_78 = arith.constant 208 : i32
    %mul3A_79 = arith.muli %arg1, %mul3A_78 : i32
    %dma_start3A_80 = arith.constant 0 : i32
    %dma_start3A_81 = tpu.memref_slice %arg21[%dma_start3A_80] : memref<2560xf32, #tpu.memory_space<vmem>> -> memref<208xf32, #tpu.memory_space<vmem>>
    %dma_start3A_82 = tpu.memref_slice %arg16[%mul3A_79] : memref<3328xf32, #tpu.memory_space<vmem_shared>> -> memref<208xf32, #tpu.memory_space<vmem_shared>>
    %dma_start3A_83 = tpu.memref_slice %arg16[%mul3A_79] : memref<3328xf32, #tpu.memory_space<vmem_shared>> -> memref<208xf32, #tpu.memory_space<vmem_shared>>
    %dma_start3A_84 = arith.constant 0 : i32
    %dma_start3A_85 = tpu.memref_slice %arg21[%dma_start3A_84] : memref<2560xf32, #tpu.memory_space<vmem>> -> memref<208xf32, #tpu.memory_space<vmem>>
    tpu.enqueue_dma source(%dma_start3A_85 : memref<208xf32, #tpu.memory_space<vmem>>) target(%dma_start3A_83 : memref<208xf32, #tpu.memory_space<vmem_shared>>) target_semaphore(%arg50 : memref<!tpu.dma_semaphore, #tpu.memory_space<semaphore_mem>>)
    %mul3A_86 = arith.constant 208 : i32
    %mul3A_87 = arith.muli %arg1, %mul3A_86 : i32
    %dma_start3A_88 = arith.constant 0 : i32
    %dma_start3A_89 = tpu.memref_slice %arg21[%dma_start3A_88] : memref<2560xf32, #tpu.memory_space<vmem>> -> memref<208xf32, #tpu.memory_space<vmem>>
    %dma_start3A_90 = tpu.memref_slice %arg17[%mul3A_87] : memref<3328xf32, #tpu.memory_space<vmem_shared>> -> memref<208xf32, #tpu.memory_space<vmem_shared>>
    %dma_start3A_91 = tpu.memref_slice %arg17[%mul3A_87] : memref<3328xf32, #tpu.memory_space<vmem_shared>> -> memref<208xf32, #tpu.memory_space<vmem_shared>>
    %dma_start3A_92 = arith.constant 0 : i32
    %dma_start3A_93 = tpu.memref_slice %arg21[%dma_start3A_92] : memref<2560xf32, #tpu.memory_space<vmem>> -> memref<208xf32, #tpu.memory_space<vmem>>
    tpu.enqueue_dma source(%dma_start3A_93 : memref<208xf32, #tpu.memory_space<vmem>>) target(%dma_start3A_91 : memref<208xf32, #tpu.memory_space<vmem_shared>>) target_semaphore(%arg50 : memref<!tpu.dma_semaphore, #tpu.memory_space<semaphore_mem>>)
    %mul3A_94 = arith.constant 208 : i32
    %mul3A_95 = arith.muli %arg1, %mul3A_94 : i32
    %dma_start3A_96 = arith.constant 0 : i32
    %dma_start3A_97 = tpu.memref_slice %arg21[%dma_start3A_96] : memref<2560xf32, #tpu.memory_space<vmem>> -> memref<208xf32, #tpu.memory_space<vmem>>
    %dma_start3A_98 = tpu.memref_slice %arg18[%mul3A_95] : memref<3328xf32, #tpu.memory_space<vmem_shared>> -> memref<208xf32, #tpu.memory_space<vmem_shared>>
    %dma_start3A_99 = tpu.memref_slice %arg18[%mul3A_95] : memref<3328xf32, #tpu.memory_space<vmem_shared>> -> memref<208xf32, #tpu.memory_space<vmem_shared>>
    %dma_start3A_100 = arith.constant 0 : i32
    %dma_start3A_101 = tpu.memref_slice %arg21[%dma_start3A_100] : memref<2560xf32, #tpu.memory_space<vmem>> -> memref<208xf32, #tpu.memory_space<vmem>>
    tpu.enqueue_dma source(%dma_start3A_101 : memref<208xf32, #tpu.memory_space<vmem>>) target(%dma_start3A_99 : memref<208xf32, #tpu.memory_space<vmem_shared>>) target_semaphore(%arg50 : memref<!tpu.dma_semaphore, #tpu.memory_space<semaphore_mem>>)
    %dma_wait3A = tpu.memref_slice %arg13[%mul3A_59] : memref<40960xf32, #tpu.memory_space<vmem_shared>> -> memref<2560xf32, #tpu.memory_space<vmem_shared>>
    %dma_wait3A_102 = tpu.memref_slice %arg13[%mul3A_59] : memref<40960xf32, #tpu.memory_space<vmem_shared>> -> memref<2560xf32, #tpu.memory_space<vmem_shared>>
    tpu.wait_dma2 semaphore(%arg50 : memref<!tpu.dma_semaphore, #tpu.memory_space<semaphore_mem>>) src(%arg21 : memref<2560xf32, #tpu.memory_space<vmem>>) dst(%dma_wait3A_102 : memref<2560xf32, #tpu.memory_space<vmem_shared>>)
    %dma_wait3A_103 = arith.constant 0 : i32
    %dma_wait3A_104 = tpu.memref_slice %arg21[%dma_wait3A_103] : memref<2560xf32, #tpu.memory_space<vmem>> -> memref<208xf32, #tpu.memory_space<vmem>>
    %dma_wait3A_105 = tpu.memref_slice %arg14[%mul3A_63] : memref<3328xf32, #tpu.memory_space<vmem_shared>> -> memref<208xf32, #tpu.memory_space<vmem_shared>>
    %dma_wait3A_106 = tpu.memref_slice %arg14[%mul3A_63] : memref<3328xf32, #tpu.memory_space<vmem_shared>> -> memref<208xf32, #tpu.memory_space<vmem_shared>>
    %dma_wait3A_107 = arith.constant 0 : i32
    %dma_wait3A_108 = tpu.memref_slice %arg21[%dma_wait3A_107] : memref<2560xf32, #tpu.memory_space<vmem>> -> memref<208xf32, #tpu.memory_space<vmem>>
    tpu.wait_dma2 semaphore(%arg50 : memref<!tpu.dma_semaphore, #tpu.memory_space<semaphore_mem>>) src(%dma_wait3A_108 : memref<208xf32, #tpu.memory_space<vmem>>) dst(%dma_wait3A_106 : memref<208xf32, #tpu.memory_space<vmem_shared>>)
    %dma_wait3A_109 = arith.constant 0 : i32
    %dma_wait3A_110 = tpu.memref_slice %arg21[%dma_wait3A_109] : memref<2560xf32, #tpu.memory_space<vmem>> -> memref<64xf32, #tpu.memory_space<vmem>>
    %dma_wait3A_111 = tpu.memref_slice %arg15[%mul3A_71] : memref<1024xf32, #tpu.memory_space<vmem_shared>> -> memref<64xf32, #tpu.memory_space<vmem_shared>>
    %dma_wait3A_112 = tpu.memref_slice %arg15[%mul3A_71] : memref<1024xf32, #tpu.memory_space<vmem_shared>> -> memref<64xf32, #tpu.memory_space<vmem_shared>>
    %dma_wait3A_113 = arith.constant 0 : i32
    %dma_wait3A_114 = tpu.memref_slice %arg21[%dma_wait3A_113] : memref<2560xf32, #tpu.memory_space<vmem>> -> memref<64xf32, #tpu.memory_space<vmem>>
    tpu.wait_dma2 semaphore(%arg50 : memref<!tpu.dma_semaphore, #tpu.memory_space<semaphore_mem>>) src(%dma_wait3A_114 : memref<64xf32, #tpu.memory_space<vmem>>) dst(%dma_wait3A_112 : memref<64xf32, #tpu.memory_space<vmem_shared>>)
    %dma_wait3A_115 = arith.constant 0 : i32
    %dma_wait3A_116 = tpu.memref_slice %arg21[%dma_wait3A_115] : memref<2560xf32, #tpu.memory_space<vmem>> -> memref<208xf32, #tpu.memory_space<vmem>>
    %dma_wait3A_117 = tpu.memref_slice %arg16[%mul3A_79] : memref<3328xf32, #tpu.memory_space<vmem_shared>> -> memref<208xf32, #tpu.memory_space<vmem_shared>>
    %dma_wait3A_118 = tpu.memref_slice %arg16[%mul3A_79] : memref<3328xf32, #tpu.memory_space<vmem_shared>> -> memref<208xf32, #tpu.memory_space<vmem_shared>>
    %dma_wait3A_119 = arith.constant 0 : i32
    %dma_wait3A_120 = tpu.memref_slice %arg21[%dma_wait3A_119] : memref<2560xf32, #tpu.memory_space<vmem>> -> memref<208xf32, #tpu.memory_space<vmem>>
    tpu.wait_dma2 semaphore(%arg50 : memref<!tpu.dma_semaphore, #tpu.memory_space<semaphore_mem>>) src(%dma_wait3A_120 : memref<208xf32, #tpu.memory_space<vmem>>) dst(%dma_wait3A_118 : memref<208xf32, #tpu.memory_space<vmem_shared>>)
    %dma_wait3A_121 = arith.constant 0 : i32
    %dma_wait3A_122 = tpu.memref_slice %arg21[%dma_wait3A_121] : memref<2560xf32, #tpu.memory_space<vmem>> -> memref<208xf32, #tpu.memory_space<vmem>>
    %dma_wait3A_123 = tpu.memref_slice %arg17[%mul3A_87] : memref<3328xf32, #tpu.memory_space<vmem_shared>> -> memref<208xf32, #tpu.memory_space<vmem_shared>>
    %dma_wait3A_124 = tpu.memref_slice %arg17[%mul3A_87] : memref<3328xf32, #tpu.memory_space<vmem_shared>> -> memref<208xf32, #tpu.memory_space<vmem_shared>>
    %dma_wait3A_125 = arith.constant 0 : i32
    %dma_wait3A_126 = tpu.memref_slice %arg21[%dma_wait3A_125] : memref<2560xf32, #tpu.memory_space<vmem>> -> memref<208xf32, #tpu.memory_space<vmem>>
    tpu.wait_dma2 semaphore(%arg50 : memref<!tpu.dma_semaphore, #tpu.memory_space<semaphore_mem>>) src(%dma_wait3A_126 : memref<208xf32, #tpu.memory_space<vmem>>) dst(%dma_wait3A_124 : memref<208xf32, #tpu.memory_space<vmem_shared>>)
    %dma_wait3A_127 = arith.constant 0 : i32
    %dma_wait3A_128 = tpu.memref_slice %arg21[%dma_wait3A_127] : memref<2560xf32, #tpu.memory_space<vmem>> -> memref<208xf32, #tpu.memory_space<vmem>>
    %dma_wait3A_129 = tpu.memref_slice %arg18[%mul3A_95] : memref<3328xf32, #tpu.memory_space<vmem_shared>> -> memref<208xf32, #tpu.memory_space<vmem_shared>>
    %dma_wait3A_130 = tpu.memref_slice %arg18[%mul3A_95] : memref<3328xf32, #tpu.memory_space<vmem_shared>> -> memref<208xf32, #tpu.memory_space<vmem_shared>>
    %dma_wait3A_131 = arith.constant 0 : i32
    %dma_wait3A_132 = tpu.memref_slice %arg21[%dma_wait3A_131] : memref<2560xf32, #tpu.memory_space<vmem>> -> memref<208xf32, #tpu.memory_space<vmem>>
    tpu.wait_dma2 semaphore(%arg50 : memref<!tpu.dma_semaphore, #tpu.memory_space<semaphore_mem>>) src(%dma_wait3A_132 : memref<208xf32, #tpu.memory_space<vmem>>) dst(%dma_wait3A_130 : memref<208xf32, #tpu.memory_space<vmem_shared>>)
    %dma_wait3A_133 = tpu.memref_slice %arg6[%select_n3A_50] : memref<40000xi32, #tpu.memory_space<hbm>> -> memref<2560xi32, #tpu.memory_space<hbm>>
    %dma_wait3A_134 = tpu.memref_slice %arg6[%select_n3A_50] : memref<40000xi32, #tpu.memory_space<hbm>> -> memref<2560xi32, #tpu.memory_space<hbm>>
    tpu.wait_dma2 semaphore(%arg53 : memref<!tpu.dma_semaphore, #tpu.memory_space<semaphore_mem>>) src(%dma_wait3A_134 : memref<2560xi32, #tpu.memory_space<hbm>>) dst(%arg36 : memref<2560xi32, #tpu.memory_space<vmem>>)
    %dma_wait3A_135 = tpu.memref_slice %arg7[%min3A_55] : memref<800xi32, #tpu.memory_space<hbm>> -> memref<64xi32, #tpu.memory_space<hbm>>
    %dma_wait3A_136 = tpu.memref_slice %arg7[%min3A_55] : memref<800xi32, #tpu.memory_space<hbm>> -> memref<64xi32, #tpu.memory_space<hbm>>
    tpu.wait_dma2 semaphore(%arg53 : memref<!tpu.dma_semaphore, #tpu.memory_space<semaphore_mem>>) src(%dma_wait3A_136 : memref<64xi32, #tpu.memory_space<hbm>>) dst(%arg40 : memref<64xi32, #tpu.memory_space<vmem>>)
    %scan3A = arith.constant 0 : i32
    %scan3A_137 = arith.constant 0 : i32
    %scan3A_138 = arith.constant 160 : i32
    %scan3A_139 = arith.addi %scan3A_137, %scan3A_138 : i32
    %scan3A_140 = arith.constant 1 : i32
    %scan3A_141 = scf.for %scan3A_299 = %scan3A_137 to %scan3A_139 step %scan3A_140 iter_args(%scan3A_300 = %scan3A) -> (i32)  : i32 {
      %mul3A_301 = arith.constant 16 : i32
      %mul3A_302 = arith.muli %scan3A_299, %mul3A_301 : i32
      %get3A = arith.index_cast %mul3A_302 : i32 to index
      %get3A_303 = tpu.vector_load %arg36[%get3A] {strides = array<i32>} : memref<2560xi32, #tpu.memory_space<vmem>>, vector<16xi32>,
      %get3A_304 = vector.shape_cast %get3A_303 : vector<16xi32> to vector<16xi32>
      %shift_left3A = arith.constant 7 : i32
      %shift_left3A_305 = vector.broadcast %shift_left3A : i32 to vector<16xi32>
      %shift_left3A_306 = arith.shli %get3A_304, %shift_left3A_305 : vector<16xi32>
      %mul3A_307 = arith.constant 16 : i32
      %mul3A_308 = arith.muli %scan3A_299, %mul3A_307 : i32
      %swap3A_309 = arith.index_cast %mul3A_308 : i32 to index
      %swap3A_310 = tpu.vector_load %arg36[%swap3A_309] {strides = array<i32>} : memref<2560xi32, #tpu.memory_space<vmem>>, vector<16xi32>,
      %swap3A_311 = vector.shape_cast %swap3A_310 : vector<16xi32> to vector<16xi32>
      %swap3A_312 = vector.shape_cast %shift_left3A_306 : vector<16xi32> to vector<16xi32>
      tpu.vector_store %arg36[%swap3A_309], %swap3A_312 {strides = array<i32>} : memref<2560xi32, #tpu.memory_space<vmem>>, vector<16xi32>,
      %scan3A_313 = arith.constant 0 : i32
      scf.yield %scan3A_313 : i32
    }
    %scan3A_142 = arith.constant 160 : i32
    %scan3A_143 = arith.constant 0 : i32
    %scan3A_144 = arith.constant 0 : i32
    %scan3A_145 = arith.constant 4 : i32
    %scan3A_146 = arith.addi %scan3A_144, %scan3A_145 : i32
    %scan3A_147 = arith.constant 1 : i32
    %scan3A_148 = scf.for %scan3A_299 = %scan3A_144 to %scan3A_146 step %scan3A_147 iter_args(%scan3A_300 = %scan3A_143) -> (i32)  : i32 {
      %mul3A_301 = arith.constant 16 : i32
      %mul3A_302 = arith.muli %scan3A_299, %mul3A_301 : i32
      %get3A = arith.index_cast %mul3A_302 : i32 to index
      %get3A_303 = tpu.vector_load %arg40[%get3A] {strides = array<i32>} : memref<64xi32, #tpu.memory_space<vmem>>, vector<16xi32>,
      %get3A_304 = vector.shape_cast %get3A_303 : vector<16xi32> to vector<16xi32>
      %shift_left3A = arith.constant 7 : i32
      %shift_left3A_305 = vector.broadcast %shift_left3A : i32 to vector<16xi32>
      %shift_left3A_306 = arith.shli %get3A_304, %shift_left3A_305 : vector<16xi32>
      %mul3A_307 = arith.constant 16 : i32
      %mul3A_308 = arith.muli %scan3A_299, %mul3A_307 : i32
      %swap3A_309 = arith.index_cast %mul3A_308 : i32 to index
      %swap3A_310 = tpu.vector_load %arg40[%swap3A_309] {strides = array<i32>} : memref<64xi32, #tpu.memory_space<vmem>>, vector<16xi32>,
      %swap3A_311 = vector.shape_cast %swap3A_310 : vector<16xi32> to vector<16xi32>
      %swap3A_312 = vector.shape_cast %shift_left3A_306 : vector<16xi32> to vector<16xi32>
      tpu.vector_store %arg40[%swap3A_309], %swap3A_312 {strides = array<i32>} : memref<64xi32, #tpu.memory_space<vmem>>, vector<16xi32>,
      %scan3A_313 = arith.constant 0 : i32
      scf.yield %scan3A_313 : i32
    }
    %scan3A_149 = arith.constant 4 : i32
    %dma_start3A_150 = arith.constant 0 : i32
    %dma_start3A_151 = tpu.memref_slice %arg8[%dma_start3A_150] : memref<1920000xf32, #tpu.memory_space<hbm>> -> memref<1920000xf32, #tpu.memory_space<hbm>>
    tpu.enqueue_indirect_dma source(%dma_start3A_151 : memref<1920000xf32, #tpu.memory_space<hbm>>) target(%arg37 : memref<2560xf32, #tpu.memory_space<vmem>>) offsets(%arg36 : memref<2560xi32, #tpu.memory_space<vmem>>) semaphore(%arg53 : memref<!tpu.dma_semaphore, #tpu.memory_space<semaphore_mem>>)
    %dma_start3A_152 = arith.constant 0 : i32
    %dma_start3A_153 = tpu.memref_slice %arg9[%dma_start3A_152] : memref<6400xf32, #tpu.memory_space<hbm>> -> memref<6400xf32, #tpu.memory_space<hbm>>
    tpu.enqueue_indirect_dma source(%dma_start3A_153 : memref<6400xf32, #tpu.memory_space<hbm>>) target(%arg41 : memref<64xf32, #tpu.memory_space<vmem>>) offsets(%arg40 : memref<64xi32, #tpu.memory_space<vmem>>) semaphore(%arg53 : memref<!tpu.dma_semaphore, #tpu.memory_space<semaphore_mem>>)
    %barrier3A = arith.constant 0 : index
    tpu.barrier barrier_id(%barrier3A)
    %dma_wait3A_154 = tpu.memref_slice %arg2[%select_n3A] : memref<200000xi32, #tpu.memory_space<hbm>> -> memref<12544xi32, #tpu.memory_space<hbm>>
    %dma_wait3A_155 = tpu.memref_slice %arg2[%select_n3A] : memref<200000xi32, #tpu.memory_space<hbm>> -> memref<12544xi32, #tpu.memory_space<hbm>>
    tpu.wait_dma2 semaphore(%arg51 : memref<!tpu.dma_semaphore, #tpu.memory_space<semaphore_mem>>) src(%dma_wait3A_155 : memref<12544xi32, #tpu.memory_space<hbm>>) dst(%arg24 : memref<12544xi32, #tpu.memory_space<vmem>>)
    %dma_wait3A_156 = tpu.memref_slice %arg3[%select_n3A] : memref<200000xi32, #tpu.memory_space<hbm>> -> memref<12544xi32, #tpu.memory_space<hbm>>
    %dma_wait3A_157 = tpu.memref_slice %arg3[%select_n3A] : memref<200000xi32, #tpu.memory_space<hbm>> -> memref<12544xi32, #tpu.memory_space<hbm>>
    tpu.wait_dma2 semaphore(%arg51 : memref<!tpu.dma_semaphore, #tpu.memory_space<semaphore_mem>>) src(%dma_wait3A_157 : memref<12544xi32, #tpu.memory_space<hbm>>) dst(%arg25 : memref<12544xi32, #tpu.memory_space<vmem>>)
    %dma_wait3A_158 = tpu.memref_slice %arg4[%select_n3A_16] : memref<20000xi32, #tpu.memory_space<hbm>> -> memref<1280xi32, #tpu.memory_space<hbm>>
    %dma_wait3A_159 = tpu.memref_slice %arg4[%select_n3A_16] : memref<20000xi32, #tpu.memory_space<hbm>> -> memref<1280xi32, #tpu.memory_space<hbm>>
    tpu.wait_dma2 semaphore(%arg51 : memref<!tpu.dma_semaphore, #tpu.memory_space<semaphore_mem>>) src(%dma_wait3A_159 : memref<1280xi32, #tpu.memory_space<hbm>>) dst(%arg26 : memref<1280xi32, #tpu.memory_space<vmem>>)
    %dma_wait3A_160 = tpu.memref_slice %arg5[%select_n3A_16] : memref<20000xi32, #tpu.memory_space<hbm>> -> memref<1280xi32, #tpu.memory_space<hbm>>
    %dma_wait3A_161 = tpu.memref_slice %arg5[%select_n3A_16] : memref<20000xi32, #tpu.memory_space<hbm>> -> memref<1280xi32, #tpu.memory_space<hbm>>
    tpu.wait_dma2 semaphore(%arg51 : memref<!tpu.dma_semaphore, #tpu.memory_space<semaphore_mem>>) src(%dma_wait3A_161 : memref<1280xi32, #tpu.memory_space<hbm>>) dst(%arg27 : memref<1280xi32, #tpu.memory_space<vmem>>)
    tpu.wait_dma2 semaphore(%arg49 : memref<!tpu.dma_semaphore, #tpu.memory_space<semaphore_mem>>) src(%arg10 : memref<12544xf32, #tpu.memory_space<hbm>>) dst(%arg22 : memref<12544xf32, #tpu.memory_space<vmem>>)
    %dma_wait3A_162 = arith.constant 0 : i32
    %dma_wait3A_163 = tpu.memref_slice %arg10[%dma_wait3A_162] : memref<12544xf32, #tpu.memory_space<hbm>> -> memref<1280xf32, #tpu.memory_space<hbm>>
    %dma_wait3A_164 = arith.constant 0 : i32
    %dma_wait3A_165 = tpu.memref_slice %arg10[%dma_wait3A_164] : memref<12544xf32, #tpu.memory_space<hbm>> -> memref<1280xf32, #tpu.memory_space<hbm>>
    tpu.wait_dma2 semaphore(%arg49 : memref<!tpu.dma_semaphore, #tpu.memory_space<semaphore_mem>>) src(%dma_wait3A_165 : memref<1280xf32, #tpu.memory_space<hbm>>) dst(%arg23 : memref<1280xf32, #tpu.memory_space<vmem>>)
    %eq3A_166 = arith.constant 15 : i32
    %eq3A_167 = arith.cmpi eq, %arg1, %eq3A_166 : i32
    %convert_element_type3A = arith.extui %eq3A_167 : i1 to i32
    %cond3A = arith.constant 0 : i32
    %cond3A_168 = arith.cmpi ne, %convert_element_type3A, %cond3A : i32
    scf.if %cond3A_168 {
      %broadcast_in_dim3A_299 = arith.constant 40959 : i32
      %broadcast_in_dim3A_300 = vector.broadcast %broadcast_in_dim3A_299 : i32 to vector<16xi32>
      %scan3A_301 = arith.constant 0 : i32
      %scan3A_302 = arith.constant 0 : i32
      %scan3A_303 = arith.constant 44 : i32
      %scan3A_304 = arith.addi %scan3A_302, %scan3A_303 : i32
      %scan3A_305 = arith.constant 1 : i32
      %scan3A_306 = scf.for %scan3A_335 = %scan3A_302 to %scan3A_304 step %scan3A_305 iter_args(%scan3A_336 = %scan3A_301) -> (i32)  : i32 {
        %mul3A_337 = arith.constant 16 : i32
        %mul3A_338 = arith.muli %scan3A_335, %mul3A_337 : i32
        %add3A_339 = arith.constant 0 : i32
        %add3A_340 = arith.addi %add3A_339, %mul3A_338 : i32
        %swap3A_341 = arith.index_cast %add3A_340 : i32 to index
        %swap3A_342 = tpu.vector_load %arg24[%swap3A_341] {strides = array<i32>} : memref<12544xi32, #tpu.memory_space<vmem>>, vector<16xi32>,
        %swap3A_343 = vector.shape_cast %swap3A_342 : vector<16xi32> to vector<16xi32>
        %swap3A_344 = vector.shape_cast %broadcast_in_dim3A_300 : vector<16xi32> to vector<16xi32>
        tpu.vector_store %arg24[%swap3A_341], %swap3A_344 {strides = array<i32>} : memref<12544xi32, #tpu.memory_space<vmem>>, vector<16xi32>,
        %scan3A_345 = arith.constant 0 : i32
        scf.yield %scan3A_345 : i32
      }
      %scan3A_307 = arith.constant 44 : i32
      %broadcast_in_dim3A_308 = arith.constant 3327 : i32
      %broadcast_in_dim3A_309 = vector.broadcast %broadcast_in_dim3A_308 : i32 to vector<16xi32>
      %scan3A_310 = arith.constant 0 : i32
      %scan3A_311 = arith.constant 0 : i32
      %scan3A_312 = arith.constant 44 : i32
      %scan3A_313 = arith.addi %scan3A_311, %scan3A_312 : i32
      %scan3A_314 = arith.constant 1 : i32
      %scan3A_315 = scf.for %scan3A_335 = %scan3A_311 to %scan3A_313 step %scan3A_314 iter_args(%scan3A_336 = %scan3A_310) -> (i32)  : i32 {
        %mul3A_337 = arith.constant 16 : i32
        %mul3A_338 = arith.muli %scan3A_335, %mul3A_337 : i32
        %add3A_339 = arith.constant 0 : i32
        %add3A_340 = arith.addi %add3A_339, %mul3A_338 : i32
        %swap3A_341 = arith.index_cast %add3A_340 : i32 to index
        %swap3A_342 = tpu.vector_load %arg25[%swap3A_341] {strides = array<i32>} : memref<12544xi32, #tpu.memory_space<vmem>>, vector<16xi32>,
        %swap3A_343 = vector.shape_cast %swap3A_342 : vector<16xi32> to vector<16xi32>
        %swap3A_344 = vector.shape_cast %broadcast_in_dim3A_309 : vector<16xi32> to vector<16xi32>
        tpu.vector_store %arg25[%swap3A_341], %swap3A_344 {strides = array<i32>} : memref<12544xi32, #tpu.memory_space<vmem>>, vector<16xi32>,
        %scan3A_345 = arith.constant 0 : i32
        scf.yield %scan3A_345 : i32
      }
      %scan3A_316 = arith.constant 44 : i32
      %broadcast_in_dim3A_317 = arith.constant 1023 : i32
      %broadcast_in_dim3A_318 = vector.broadcast %broadcast_in_dim3A_317 : i32 to vector<16xi32>
      %scan3A_319 = arith.constant 0 : i32
      %scan3A_320 = arith.constant 0 : i32
      %scan3A_321 = arith.constant 30 : i32
      %scan3A_322 = arith.addi %scan3A_320, %scan3A_321 : i32
      %scan3A_323 = arith.constant 1 : i32
      %scan3A_324 = scf.for %scan3A_335 = %scan3A_320 to %scan3A_322 step %scan3A_323 iter_args(%scan3A_336 = %scan3A_319) -> (i32)  : i32 {
        %mul3A_337 = arith.constant 16 : i32
        %mul3A_338 = arith.muli %scan3A_335, %mul3A_337 : i32
        %add3A_339 = arith.constant 0 : i32
        %add3A_340 = arith.addi %add3A_339, %mul3A_338 : i32
        %swap3A_341 = arith.index_cast %add3A_340 : i32 to index
        %swap3A_342 = tpu.vector_load %arg26[%swap3A_341] {strides = array<i32>} : memref<1280xi32, #tpu.memory_space<vmem>>, vector<16xi32>,
        %swap3A_343 = vector.shape_cast %swap3A_342 : vector<16xi32> to vector<16xi32>
        %swap3A_344 = vector.shape_cast %broadcast_in_dim3A_318 : vector<16xi32> to vector<16xi32>
        tpu.vector_store %arg26[%swap3A_341], %swap3A_344 {strides = array<i32>} : memref<1280xi32, #tpu.memory_space<vmem>>, vector<16xi32>,
        %scan3A_345 = arith.constant 0 : i32
        scf.yield %scan3A_345 : i32
      }
      %scan3A_325 = arith.constant 30 : i32
      %broadcast_in_dim3A_326 = arith.constant 3327 : i32
      %broadcast_in_dim3A_327 = vector.broadcast %broadcast_in_dim3A_326 : i32 to vector<16xi32>
      %scan3A_328 = arith.constant 0 : i32
      %scan3A_329 = arith.constant 0 : i32
      %scan3A_330 = arith.constant 30 : i32
      %scan3A_331 = arith.addi %scan3A_329, %scan3A_330 : i32
      %scan3A_332 = arith.constant 1 : i32
      %scan3A_333 = scf.for %scan3A_335 = %scan3A_329 to %scan3A_331 step %scan3A_332 iter_args(%scan3A_336 = %scan3A_328) -> (i32)  : i32 {
        %mul3A_337 = arith.constant 16 : i32
        %mul3A_338 = arith.muli %scan3A_335, %mul3A_337 : i32
        %add3A_339 = arith.constant 0 : i32
        %add3A_340 = arith.addi %add3A_339, %mul3A_338 : i32
        %swap3A_341 = arith.index_cast %add3A_340 : i32 to index
        %swap3A_342 = tpu.vector_load %arg27[%swap3A_341] {strides = array<i32>} : memref<1280xi32, #tpu.memory_space<vmem>>, vector<16xi32>,
        %swap3A_343 = vector.shape_cast %swap3A_342 : vector<16xi32> to vector<16xi32>
        %swap3A_344 = vector.shape_cast %broadcast_in_dim3A_327 : vector<16xi32> to vector<16xi32>
        tpu.vector_store %arg27[%swap3A_341], %swap3A_344 {strides = array<i32>} : memref<1280xi32, #tpu.memory_space<vmem>>, vector<16xi32>,
        %scan3A_345 = arith.constant 0 : i32
        scf.yield %scan3A_345 : i32
      }
      %scan3A_334 = arith.constant 30 : i32
    } else {
    }
    %dma_start3A_169 = arith.constant 0 : i32
    %dma_start3A_170 = tpu.memref_slice %arg13[%dma_start3A_169] : memref<40960xf32, #tpu.memory_space<vmem_shared>> -> memref<40960xf32, #tpu.memory_space<vmem_shared>>
    tpu.enqueue_indirect_dma source(%arg22 : memref<12544xf32, #tpu.memory_space<vmem>>) target(%dma_start3A_170 : memref<40960xf32, #tpu.memory_space<vmem_shared>>) offsets(%arg24 : memref<12544xi32, #tpu.memory_space<vmem>>) semaphore(%arg51 : memref<!tpu.dma_semaphore, #tpu.memory_space<semaphore_mem>>) {add = true}
    %dma_start3A_171 = arith.constant 0 : i32
    %dma_start3A_172 = tpu.memref_slice %arg15[%dma_start3A_171] : memref<1024xf32, #tpu.memory_space<vmem_shared>> -> memref<1024xf32, #tpu.memory_space<vmem_shared>>
    tpu.enqueue_indirect_dma source(%arg23 : memref<1280xf32, #tpu.memory_space<vmem>>) target(%dma_start3A_172 : memref<1024xf32, #tpu.memory_space<vmem_shared>>) offsets(%arg26 : memref<1280xi32, #tpu.memory_space<vmem>>) semaphore(%arg51 : memref<!tpu.dma_semaphore, #tpu.memory_space<semaphore_mem>>) {add = true}
    %dma_wait3A_173 = arith.constant 0 : i32
    %dma_wait3A_174 = tpu.memref_slice %arg13[%dma_wait3A_173] : memref<40960xf32, #tpu.memory_space<vmem_shared>> -> memref<40960xf32, #tpu.memory_space<vmem_shared>>
    tpu.wait_indirect_dma semaphore(%arg51 : memref<!tpu.dma_semaphore, #tpu.memory_space<semaphore_mem>>) src(%arg22 : memref<12544xf32, #tpu.memory_space<vmem>>) dst(%dma_wait3A_174 : memref<40960xf32, #tpu.memory_space<vmem_shared>>)
    %dma_wait3A_175 = arith.constant 0 : i32
    %dma_wait3A_176 = tpu.memref_slice %arg15[%dma_wait3A_175] : memref<1024xf32, #tpu.memory_space<vmem_shared>> -> memref<1024xf32, #tpu.memory_space<vmem_shared>>
    tpu.wait_indirect_dma semaphore(%arg51 : memref<!tpu.dma_semaphore, #tpu.memory_space<semaphore_mem>>) src(%arg23 : memref<1280xf32, #tpu.memory_space<vmem>>) dst(%dma_wait3A_176 : memref<1024xf32, #tpu.memory_space<vmem_shared>>)
    %barrier3A_177 = arith.constant 0 : index
    tpu.barrier barrier_id(%barrier3A_177)
    %dma_start3A_178 = arith.constant 0 : i32
    %dma_start3A_179 = tpu.memref_slice %arg14[%dma_start3A_178] : memref<3328xf32, #tpu.memory_space<vmem_shared>> -> memref<3328xf32, #tpu.memory_space<vmem_shared>>
    tpu.enqueue_indirect_dma source(%arg22 : memref<12544xf32, #tpu.memory_space<vmem>>) target(%dma_start3A_179 : memref<3328xf32, #tpu.memory_space<vmem_shared>>) offsets(%arg25 : memref<12544xi32, #tpu.memory_space<vmem>>) semaphore(%arg51 : memref<!tpu.dma_semaphore, #tpu.memory_space<semaphore_mem>>) {add = true}
    %dma_start3A_180 = arith.constant 0 : i32
    %dma_start3A_181 = tpu.memref_slice %arg16[%dma_start3A_180] : memref<3328xf32, #tpu.memory_space<vmem_shared>> -> memref<3328xf32, #tpu.memory_space<vmem_shared>>
    tpu.enqueue_indirect_dma source(%arg23 : memref<1280xf32, #tpu.memory_space<vmem>>) target(%dma_start3A_181 : memref<3328xf32, #tpu.memory_space<vmem_shared>>) offsets(%arg27 : memref<1280xi32, #tpu.memory_space<vmem>>) semaphore(%arg51 : memref<!tpu.dma_semaphore, #tpu.memory_space<semaphore_mem>>) {add = true}
    %dma_start3A_182 = tpu.memref_slice %arg13[%select_n3A_50] : memref<40960xf32, #tpu.memory_space<vmem_shared>> -> memref<2560xf32, #tpu.memory_space<vmem_shared>>
    %dma_start3A_183 = tpu.memref_slice %arg13[%select_n3A_50] : memref<40960xf32, #tpu.memory_space<vmem_shared>> -> memref<2560xf32, #tpu.memory_space<vmem_shared>>
    tpu.enqueue_dma source(%dma_start3A_183 : memref<2560xf32, #tpu.memory_space<vmem_shared>>) target(%arg38 : memref<2560xf32, #tpu.memory_space<vmem>>) target_semaphore(%arg50 : memref<!tpu.dma_semaphore, #tpu.memory_space<semaphore_mem>>)
    %dma_start3A_184 = tpu.memref_slice %arg15[%min3A_55] : memref<1024xf32, #tpu.memory_space<vmem_shared>> -> memref<64xf32, #tpu.memory_space<vmem_shared>>
    %dma_start3A_185 = tpu.memref_slice %arg15[%min3A_55] : memref<1024xf32, #tpu.memory_space<vmem_shared>> -> memref<64xf32, #tpu.memory_space<vmem_shared>>
    tpu.enqueue_dma source(%dma_start3A_185 : memref<64xf32, #tpu.memory_space<vmem_shared>>) target(%arg42 : memref<64xf32, #tpu.memory_space<vmem>>) target_semaphore(%arg50 : memref<!tpu.dma_semaphore, #tpu.memory_space<semaphore_mem>>)
    %dma_wait3A_186 = arith.constant 0 : i32
    %dma_wait3A_187 = tpu.memref_slice %arg8[%dma_wait3A_186] : memref<1920000xf32, #tpu.memory_space<hbm>> -> memref<1920000xf32, #tpu.memory_space<hbm>>
    tpu.wait_indirect_dma semaphore(%arg53 : memref<!tpu.dma_semaphore, #tpu.memory_space<semaphore_mem>>) src(%dma_wait3A_187 : memref<1920000xf32, #tpu.memory_space<hbm>>) dst(%arg37 : memref<2560xf32, #tpu.memory_space<vmem>>)
    %dma_wait3A_188 = arith.constant 0 : i32
    %dma_wait3A_189 = tpu.memref_slice %arg9[%dma_wait3A_188] : memref<6400xf32, #tpu.memory_space<hbm>> -> memref<6400xf32, #tpu.memory_space<hbm>>
    tpu.wait_indirect_dma semaphore(%arg53 : memref<!tpu.dma_semaphore, #tpu.memory_space<semaphore_mem>>) src(%dma_wait3A_189 : memref<6400xf32, #tpu.memory_space<hbm>>) dst(%arg41 : memref<64xf32, #tpu.memory_space<vmem>>)
    %dma_wait3A_190 = tpu.memref_slice %arg13[%select_n3A_50] : memref<40960xf32, #tpu.memory_space<vmem_shared>> -> memref<2560xf32, #tpu.memory_space<vmem_shared>>
    %dma_wait3A_191 = tpu.memref_slice %arg13[%select_n3A_50] : memref<40960xf32, #tpu.memory_space<vmem_shared>> -> memref<2560xf32, #tpu.memory_space<vmem_shared>>
    tpu.wait_dma2 semaphore(%arg50 : memref<!tpu.dma_semaphore, #tpu.memory_space<semaphore_mem>>) src(%dma_wait3A_191 : memref<2560xf32, #tpu.memory_space<vmem_shared>>) dst(%arg38 : memref<2560xf32, #tpu.memory_space<vmem>>)
    %dma_wait3A_192 = tpu.memref_slice %arg15[%min3A_55] : memref<1024xf32, #tpu.memory_space<vmem_shared>> -> memref<64xf32, #tpu.memory_space<vmem_shared>>
    %dma_wait3A_193 = tpu.memref_slice %arg15[%min3A_55] : memref<1024xf32, #tpu.memory_space<vmem_shared>> -> memref<64xf32, #tpu.memory_space<vmem_shared>>
    tpu.wait_dma2 semaphore(%arg50 : memref<!tpu.dma_semaphore, #tpu.memory_space<semaphore_mem>>) src(%dma_wait3A_193 : memref<64xf32, #tpu.memory_space<vmem_shared>>) dst(%arg42 : memref<64xf32, #tpu.memory_space<vmem>>)
    %scan3A_194 = arith.constant 0 : i32
    %scan3A_195 = arith.constant 0 : i32
    %scan3A_196 = arith.constant 160 : i32
    %scan3A_197 = arith.addi %scan3A_195, %scan3A_196 : i32
    %scan3A_198 = arith.constant 1 : i32
    %scan3A_199 = scf.for %scan3A_299 = %scan3A_195 to %scan3A_197 step %scan3A_198 iter_args(%scan3A_300 = %scan3A_194) -> (i32)  : i32 {
      %mul3A_301 = arith.constant 16 : i32
      %mul3A_302 = arith.muli %scan3A_299, %mul3A_301 : i32
      %get3A = arith.index_cast %mul3A_302 : i32 to index
      %get3A_303 = tpu.vector_load %arg38[%get3A] {strides = array<i32>} : memref<2560xf32, #tpu.memory_space<vmem>>, vector<16xf32>,
      %get3A_304 = vector.shape_cast %get3A_303 : vector<16xf32> to vector<16xf32>
      %max3A = arith.constant 1.000000e+00 : f32
      %max3A_305 = vector.broadcast %max3A : f32 to vector<16xf32>
      %max3A_306 = arith.maximumf %get3A_304, %max3A_305 : vector<16xf32>
      %bitcast_convert_type3A = tpu.bitcast %max3A_306 : vector<16xf32> -> vector<16xi32>
      %shift_right_arithmetic3A = arith.constant 1 : i32
      %shift_right_arithmetic3A_307 = vector.broadcast %shift_right_arithmetic3A : i32 to vector<16xi32>
      %shift_right_arithmetic3A_308 = arith.shrsi %bitcast_convert_type3A, %shift_right_arithmetic3A_307 : vector<16xi32>
      %sub3A = arith.constant 1597463007 : i32
      %sub3A_309 = vector.broadcast %sub3A : i32 to vector<16xi32>
      %sub3A_310 = arith.subi %sub3A_309, %shift_right_arithmetic3A_308 : vector<16xi32>
      %bitcast_convert_type3A_311 = tpu.bitcast %sub3A_310 : vector<16xi32> -> vector<16xf32>
      %mul3A_312 = arith.constant 5.000000e-01 : f32
      %mul3A_313 = vector.broadcast %mul3A_312 : f32 to vector<16xf32>
      %mul3A_314 = arith.mulf %mul3A_313, %max3A_306 : vector<16xf32>
      %mul3A_315 = arith.mulf %mul3A_314, %bitcast_convert_type3A_311 : vector<16xf32>
      %mul3A_316 = arith.mulf %mul3A_315, %bitcast_convert_type3A_311 : vector<16xf32>
      %sub3A_317 = arith.constant 1.500000e+00 : f32
      %sub3A_318 = vector.broadcast %sub3A_317 : f32 to vector<16xf32>
      %sub3A_319 = arith.subf %sub3A_318, %mul3A_316 : vector<16xf32>
      %mul3A_320 = arith.mulf %bitcast_convert_type3A_311, %sub3A_319 : vector<16xf32>
      %mul3A_321 = arith.constant 5.000000e-01 : f32
      %mul3A_322 = vector.broadcast %mul3A_321 : f32 to vector<16xf32>
      %mul3A_323 = arith.mulf %mul3A_322, %max3A_306 : vector<16xf32>
      %mul3A_324 = arith.mulf %mul3A_323, %mul3A_320 : vector<16xf32>
      %mul3A_325 = arith.mulf %mul3A_324, %mul3A_320 : vector<16xf32>
      %sub3A_326 = arith.constant 1.500000e+00 : f32
      %sub3A_327 = vector.broadcast %sub3A_326 : f32 to vector<16xf32>
      %sub3A_328 = arith.subf %sub3A_327, %mul3A_325 : vector<16xf32>
      %mul3A_329 = arith.mulf %mul3A_320, %sub3A_328 : vector<16xf32>
      %mul3A_330 = arith.constant 16 : i32
      %mul3A_331 = arith.muli %scan3A_299, %mul3A_330 : i32
      %get3A_332 = arith.index_cast %mul3A_331 : i32 to index
      %get3A_333 = tpu.vector_load %arg37[%get3A_332] {strides = array<i32>} : memref<2560xf32, #tpu.memory_space<vmem>>, vector<16xf32>,
      %get3A_334 = vector.shape_cast %get3A_333 : vector<16xf32> to vector<16xf32>
      %mul3A_335 = arith.mulf %mul3A_329, %get3A_334 : vector<16xf32>
      %mul3A_336 = arith.constant 16 : i32
      %mul3A_337 = arith.muli %scan3A_299, %mul3A_336 : i32
      %swap3A_338 = arith.index_cast %mul3A_337 : i32 to index
      %swap3A_339 = tpu.vector_load %arg39[%swap3A_338] {strides = array<i32>} : memref<2560xf32, #tpu.memory_space<vmem>>, vector<16xf32>,
      %swap3A_340 = vector.shape_cast %swap3A_339 : vector<16xf32> to vector<16xf32>
      %swap3A_341 = vector.shape_cast %mul3A_335 : vector<16xf32> to vector<16xf32>
      tpu.vector_store %arg39[%swap3A_338], %swap3A_341 {strides = array<i32>} : memref<2560xf32, #tpu.memory_space<vmem>>, vector<16xf32>,
      %scan3A_342 = arith.constant 0 : i32
      scf.yield %scan3A_342 : i32
    }
    %scan3A_200 = arith.constant 160 : i32
    %scan3A_201 = arith.constant 0 : i32
    %scan3A_202 = arith.constant 0 : i32
    %scan3A_203 = arith.constant 4 : i32
    %scan3A_204 = arith.addi %scan3A_202, %scan3A_203 : i32
    %scan3A_205 = arith.constant 1 : i32
    %scan3A_206 = scf.for %scan3A_299 = %scan3A_202 to %scan3A_204 step %scan3A_205 iter_args(%scan3A_300 = %scan3A_201) -> (i32)  : i32 {
      %mul3A_301 = arith.constant 16 : i32
      %mul3A_302 = arith.muli %scan3A_299, %mul3A_301 : i32
      %get3A = arith.index_cast %mul3A_302 : i32 to index
      %get3A_303 = tpu.vector_load %arg42[%get3A] {strides = array<i32>} : memref<64xf32, #tpu.memory_space<vmem>>, vector<16xf32>,
      %get3A_304 = vector.shape_cast %get3A_303 : vector<16xf32> to vector<16xf32>
      %max3A = arith.constant 1.000000e+00 : f32
      %max3A_305 = vector.broadcast %max3A : f32 to vector<16xf32>
      %max3A_306 = arith.maximumf %get3A_304, %max3A_305 : vector<16xf32>
      %bitcast_convert_type3A = tpu.bitcast %max3A_306 : vector<16xf32> -> vector<16xi32>
      %shift_right_arithmetic3A = arith.constant 1 : i32
      %shift_right_arithmetic3A_307 = vector.broadcast %shift_right_arithmetic3A : i32 to vector<16xi32>
      %shift_right_arithmetic3A_308 = arith.shrsi %bitcast_convert_type3A, %shift_right_arithmetic3A_307 : vector<16xi32>
      %sub3A = arith.constant 1597463007 : i32
      %sub3A_309 = vector.broadcast %sub3A : i32 to vector<16xi32>
      %sub3A_310 = arith.subi %sub3A_309, %shift_right_arithmetic3A_308 : vector<16xi32>
      %bitcast_convert_type3A_311 = tpu.bitcast %sub3A_310 : vector<16xi32> -> vector<16xf32>
      %mul3A_312 = arith.constant 5.000000e-01 : f32
      %mul3A_313 = vector.broadcast %mul3A_312 : f32 to vector<16xf32>
      %mul3A_314 = arith.mulf %mul3A_313, %max3A_306 : vector<16xf32>
      %mul3A_315 = arith.mulf %mul3A_314, %bitcast_convert_type3A_311 : vector<16xf32>
      %mul3A_316 = arith.mulf %mul3A_315, %bitcast_convert_type3A_311 : vector<16xf32>
      %sub3A_317 = arith.constant 1.500000e+00 : f32
      %sub3A_318 = vector.broadcast %sub3A_317 : f32 to vector<16xf32>
      %sub3A_319 = arith.subf %sub3A_318, %mul3A_316 : vector<16xf32>
      %mul3A_320 = arith.mulf %bitcast_convert_type3A_311, %sub3A_319 : vector<16xf32>
      %mul3A_321 = arith.constant 5.000000e-01 : f32
      %mul3A_322 = vector.broadcast %mul3A_321 : f32 to vector<16xf32>
      %mul3A_323 = arith.mulf %mul3A_322, %max3A_306 : vector<16xf32>
      %mul3A_324 = arith.mulf %mul3A_323, %mul3A_320 : vector<16xf32>
      %mul3A_325 = arith.mulf %mul3A_324, %mul3A_320 : vector<16xf32>
      %sub3A_326 = arith.constant 1.500000e+00 : f32
      %sub3A_327 = vector.broadcast %sub3A_326 : f32 to vector<16xf32>
      %sub3A_328 = arith.subf %sub3A_327, %mul3A_325 : vector<16xf32>
      %mul3A_329 = arith.mulf %mul3A_320, %sub3A_328 : vector<16xf32>
      %mul3A_330 = arith.constant 16 : i32
      %mul3A_331 = arith.muli %scan3A_299, %mul3A_330 : i32
      %get3A_332 = arith.index_cast %mul3A_331 : i32 to index
      %get3A_333 = tpu.vector_load %arg41[%get3A_332] {strides = array<i32>} : memref<64xf32, #tpu.memory_space<vmem>>, vector<16xf32>,
      %get3A_334 = vector.shape_cast %get3A_333 : vector<16xf32> to vector<16xf32>
      %mul3A_335 = arith.mulf %mul3A_329, %get3A_334 : vector<16xf32>
      %mul3A_336 = arith.constant 16 : i32
      %mul3A_337 = arith.muli %scan3A_299, %mul3A_336 : i32
      %swap3A_338 = arith.index_cast %mul3A_337 : i32 to index
      %swap3A_339 = tpu.vector_load %arg43[%swap3A_338] {strides = array<i32>} : memref<64xf32, #tpu.memory_space<vmem>>, vector<16xf32>,
      %swap3A_340 = vector.shape_cast %swap3A_339 : vector<16xf32> to vector<16xf32>
      %swap3A_341 = vector.shape_cast %mul3A_335 : vector<16xf32> to vector<16xf32>
      tpu.vector_store %arg43[%swap3A_338], %swap3A_341 {strides = array<i32>} : memref<64xf32, #tpu.memory_space<vmem>>, vector<16xf32>,
      %scan3A_342 = arith.constant 0 : i32
      scf.yield %scan3A_342 : i32
    }
    %scan3A_207 = arith.constant 4 : i32
    %dma_start3A_208 = tpu.memref_slice %arg19[%select_n3A_50] : memref<40960xf32, #tpu.memory_space<vmem_shared>> -> memref<2560xf32, #tpu.memory_space<vmem_shared>>
    %dma_start3A_209 = tpu.memref_slice %arg19[%select_n3A_50] : memref<40960xf32, #tpu.memory_space<vmem_shared>> -> memref<2560xf32, #tpu.memory_space<vmem_shared>>
    tpu.enqueue_dma source(%arg39 : memref<2560xf32, #tpu.memory_space<vmem>>) target(%dma_start3A_209 : memref<2560xf32, #tpu.memory_space<vmem_shared>>) target_semaphore(%arg50 : memref<!tpu.dma_semaphore, #tpu.memory_space<semaphore_mem>>)
    %dma_start3A_210 = tpu.memref_slice %arg20[%min3A_55] : memref<1024xf32, #tpu.memory_space<vmem_shared>> -> memref<64xf32, #tpu.memory_space<vmem_shared>>
    %dma_start3A_211 = tpu.memref_slice %arg20[%min3A_55] : memref<1024xf32, #tpu.memory_space<vmem_shared>> -> memref<64xf32, #tpu.memory_space<vmem_shared>>
    tpu.enqueue_dma source(%arg43 : memref<64xf32, #tpu.memory_space<vmem>>) target(%dma_start3A_211 : memref<64xf32, #tpu.memory_space<vmem_shared>>) target_semaphore(%arg50 : memref<!tpu.dma_semaphore, #tpu.memory_space<semaphore_mem>>)
    %dma_wait3A_212 = tpu.memref_slice %arg19[%select_n3A_50] : memref<40960xf32, #tpu.memory_space<vmem_shared>> -> memref<2560xf32, #tpu.memory_space<vmem_shared>>
    %dma_wait3A_213 = tpu.memref_slice %arg19[%select_n3A_50] : memref<40960xf32, #tpu.memory_space<vmem_shared>> -> memref<2560xf32, #tpu.memory_space<vmem_shared>>
    tpu.wait_dma2 semaphore(%arg50 : memref<!tpu.dma_semaphore, #tpu.memory_space<semaphore_mem>>) src(%arg39 : memref<2560xf32, #tpu.memory_space<vmem>>) dst(%dma_wait3A_213 : memref<2560xf32, #tpu.memory_space<vmem_shared>>)
    %dma_wait3A_214 = tpu.memref_slice %arg20[%min3A_55] : memref<1024xf32, #tpu.memory_space<vmem_shared>> -> memref<64xf32, #tpu.memory_space<vmem_shared>>
    %dma_wait3A_215 = tpu.memref_slice %arg20[%min3A_55] : memref<1024xf32, #tpu.memory_space<vmem_shared>> -> memref<64xf32, #tpu.memory_space<vmem_shared>>
    tpu.wait_dma2 semaphore(%arg50 : memref<!tpu.dma_semaphore, #tpu.memory_space<semaphore_mem>>) src(%arg43 : memref<64xf32, #tpu.memory_space<vmem>>) dst(%dma_wait3A_215 : memref<64xf32, #tpu.memory_space<vmem_shared>>)
    %barrier3A_216 = arith.constant 0 : index
    tpu.barrier barrier_id(%barrier3A_216)
    %dma_wait3A_217 = tpu.memref_slice %arg2[%select_n3A_26] : memref<200000xi32, #tpu.memory_space<hbm>> -> memref<6272xi32, #tpu.memory_space<hbm>>
    %dma_wait3A_218 = tpu.memref_slice %arg2[%select_n3A_26] : memref<200000xi32, #tpu.memory_space<hbm>> -> memref<6272xi32, #tpu.memory_space<hbm>>
    tpu.wait_dma2 semaphore(%arg52 : memref<!tpu.dma_semaphore, #tpu.memory_space<semaphore_mem>>) src(%dma_wait3A_218 : memref<6272xi32, #tpu.memory_space<hbm>>) dst(%arg28 : memref<6272xi32, #tpu.memory_space<vmem>>)
    %dma_wait3A_219 = tpu.memref_slice %arg3[%select_n3A_26] : memref<200000xi32, #tpu.memory_space<hbm>> -> memref<3136xi32, #tpu.memory_space<hbm>>
    %dma_wait3A_220 = tpu.memref_slice %arg3[%select_n3A_26] : memref<200000xi32, #tpu.memory_space<hbm>> -> memref<3136xi32, #tpu.memory_space<hbm>>
    tpu.wait_dma2 semaphore(%arg52 : memref<!tpu.dma_semaphore, #tpu.memory_space<semaphore_mem>>) src(%dma_wait3A_220 : memref<3136xi32, #tpu.memory_space<hbm>>) dst(%arg29 : memref<3136xi32, #tpu.memory_space<vmem>>)
    %dma_wait3A_221 = tpu.memref_slice %arg3[%add3A_32] : memref<200000xi32, #tpu.memory_space<hbm>> -> memref<3136xi32, #tpu.memory_space<hbm>>
    %dma_wait3A_222 = tpu.memref_slice %arg3[%add3A_32] : memref<200000xi32, #tpu.memory_space<hbm>> -> memref<3136xi32, #tpu.memory_space<hbm>>
    tpu.wait_dma2 semaphore(%arg52 : memref<!tpu.dma_semaphore, #tpu.memory_space<semaphore_mem>>) src(%dma_wait3A_222 : memref<3136xi32, #tpu.memory_space<hbm>>) dst(%arg30 : memref<3136xi32, #tpu.memory_space<vmem>>)
    %dma_wait3A_223 = tpu.memref_slice %arg4[%select_n3A_40] : memref<20000xi32, #tpu.memory_space<hbm>> -> memref<640xi32, #tpu.memory_space<hbm>>
    %dma_wait3A_224 = tpu.memref_slice %arg4[%select_n3A_40] : memref<20000xi32, #tpu.memory_space<hbm>> -> memref<640xi32, #tpu.memory_space<hbm>>
    tpu.wait_dma2 semaphore(%arg52 : memref<!tpu.dma_semaphore, #tpu.memory_space<semaphore_mem>>) src(%dma_wait3A_224 : memref<640xi32, #tpu.memory_space<hbm>>) dst(%arg31 : memref<640xi32, #tpu.memory_space<vmem>>)
    %dma_wait3A_225 = tpu.memref_slice %arg5[%select_n3A_40] : memref<20000xi32, #tpu.memory_space<hbm>> -> memref<640xi32, #tpu.memory_space<hbm>>
    %dma_wait3A_226 = tpu.memref_slice %arg5[%select_n3A_40] : memref<20000xi32, #tpu.memory_space<hbm>> -> memref<640xi32, #tpu.memory_space<hbm>>
    tpu.wait_dma2 semaphore(%arg52 : memref<!tpu.dma_semaphore, #tpu.memory_space<semaphore_mem>>) src(%dma_wait3A_226 : memref<640xi32, #tpu.memory_space<hbm>>) dst(%arg32 : memref<640xi32, #tpu.memory_space<vmem>>)
    %eq3A_227 = arith.constant 31 : i32
    %eq3A_228 = arith.cmpi eq, %add3A, %eq3A_227 : i32
    %convert_element_type3A_229 = arith.extui %eq3A_228 : i1 to i32
    %cond3A_230 = arith.constant 0 : i32
    %cond3A_231 = arith.cmpi ne, %convert_element_type3A_229, %cond3A_230 : i32
    scf.if %cond3A_231 {
      %broadcast_in_dim3A_299 = arith.constant 40959 : i32
      %broadcast_in_dim3A_300 = vector.broadcast %broadcast_in_dim3A_299 : i32 to vector<16xi32>
      %scan3A_301 = arith.constant 0 : i32
      %scan3A_302 = arith.constant 0 : i32
      %scan3A_303 = arith.constant 44 : i32
      %scan3A_304 = arith.addi %scan3A_302, %scan3A_303 : i32
      %scan3A_305 = arith.constant 1 : i32
      %scan3A_306 = scf.for %scan3A_335 = %scan3A_302 to %scan3A_304 step %scan3A_305 iter_args(%scan3A_336 = %scan3A_301) -> (i32)  : i32 {
        %mul3A_337 = arith.constant 16 : i32
        %mul3A_338 = arith.muli %scan3A_335, %mul3A_337 : i32
        %add3A_339 = arith.constant 0 : i32
        %add3A_340 = arith.addi %add3A_339, %mul3A_338 : i32
        %swap3A_341 = arith.index_cast %add3A_340 : i32 to index
        %swap3A_342 = tpu.vector_load %arg28[%swap3A_341] {strides = array<i32>} : memref<6272xi32, #tpu.memory_space<vmem>>, vector<16xi32>,
        %swap3A_343 = vector.shape_cast %swap3A_342 : vector<16xi32> to vector<16xi32>
        %swap3A_344 = vector.shape_cast %broadcast_in_dim3A_300 : vector<16xi32> to vector<16xi32>
        tpu.vector_store %arg28[%swap3A_341], %swap3A_344 {strides = array<i32>} : memref<6272xi32, #tpu.memory_space<vmem>>, vector<16xi32>,
        %scan3A_345 = arith.constant 0 : i32
        scf.yield %scan3A_345 : i32
      }
      %scan3A_307 = arith.constant 44 : i32
      %broadcast_in_dim3A_308 = arith.constant 3327 : i32
      %broadcast_in_dim3A_309 = vector.broadcast %broadcast_in_dim3A_308 : i32 to vector<16xi32>
      %scan3A_310 = arith.constant 0 : i32
      %scan3A_311 = arith.constant 0 : i32
      %scan3A_312 = arith.constant 44 : i32
      %scan3A_313 = arith.addi %scan3A_311, %scan3A_312 : i32
      %scan3A_314 = arith.constant 1 : i32
      %scan3A_315 = scf.for %scan3A_335 = %scan3A_311 to %scan3A_313 step %scan3A_314 iter_args(%scan3A_336 = %scan3A_310) -> (i32)  : i32 {
        %mul3A_337 = arith.constant 16 : i32
        %mul3A_338 = arith.muli %scan3A_335, %mul3A_337 : i32
        %add3A_339 = arith.constant 0 : i32
        %add3A_340 = arith.addi %add3A_339, %mul3A_338 : i32
        %swap3A_341 = arith.index_cast %add3A_340 : i32 to index
        %swap3A_342 = tpu.vector_load %arg29[%swap3A_341] {strides = array<i32>} : memref<3136xi32, #tpu.memory_space<vmem>>, vector<16xi32>,
        %swap3A_343 = vector.shape_cast %swap3A_342 : vector<16xi32> to vector<16xi32>
        %swap3A_344 = vector.shape_cast %broadcast_in_dim3A_309 : vector<16xi32> to vector<16xi32>
        tpu.vector_store %arg29[%swap3A_341], %swap3A_344 {strides = array<i32>} : memref<3136xi32, #tpu.memory_space<vmem>>, vector<16xi32>,
        %scan3A_345 = arith.constant 0 : i32
        scf.yield %scan3A_345 : i32
      }
      %scan3A_316 = arith.constant 44 : i32
      %broadcast_in_dim3A_317 = arith.constant 1023 : i32
      %broadcast_in_dim3A_318 = vector.broadcast %broadcast_in_dim3A_317 : i32 to vector<16xi32>
      %scan3A_319 = arith.constant 0 : i32
      %scan3A_320 = arith.constant 0 : i32
      %scan3A_321 = arith.constant 30 : i32
      %scan3A_322 = arith.addi %scan3A_320, %scan3A_321 : i32
      %scan3A_323 = arith.constant 1 : i32
      %scan3A_324 = scf.for %scan3A_335 = %scan3A_320 to %scan3A_322 step %scan3A_323 iter_args(%scan3A_336 = %scan3A_319) -> (i32)  : i32 {
        %mul3A_337 = arith.constant 16 : i32
        %mul3A_338 = arith.muli %scan3A_335, %mul3A_337 : i32
        %add3A_339 = arith.constant 0 : i32
        %add3A_340 = arith.addi %add3A_339, %mul3A_338 : i32
        %swap3A_341 = arith.index_cast %add3A_340 : i32 to index
        %swap3A_342 = tpu.vector_load %arg31[%swap3A_341] {strides = array<i32>} : memref<640xi32, #tpu.memory_space<vmem>>, vector<16xi32>,
        %swap3A_343 = vector.shape_cast %swap3A_342 : vector<16xi32> to vector<16xi32>
        %swap3A_344 = vector.shape_cast %broadcast_in_dim3A_318 : vector<16xi32> to vector<16xi32>
        tpu.vector_store %arg31[%swap3A_341], %swap3A_344 {strides = array<i32>} : memref<640xi32, #tpu.memory_space<vmem>>, vector<16xi32>,
        %scan3A_345 = arith.constant 0 : i32
        scf.yield %scan3A_345 : i32
      }
      %scan3A_325 = arith.constant 30 : i32
      %broadcast_in_dim3A_326 = arith.constant 3327 : i32
      %broadcast_in_dim3A_327 = vector.broadcast %broadcast_in_dim3A_326 : i32 to vector<16xi32>
      %scan3A_328 = arith.constant 0 : i32
      %scan3A_329 = arith.constant 0 : i32
      %scan3A_330 = arith.constant 30 : i32
      %scan3A_331 = arith.addi %scan3A_329, %scan3A_330 : i32
      %scan3A_332 = arith.constant 1 : i32
      %scan3A_333 = scf.for %scan3A_335 = %scan3A_329 to %scan3A_331 step %scan3A_332 iter_args(%scan3A_336 = %scan3A_328) -> (i32)  : i32 {
        %mul3A_337 = arith.constant 16 : i32
        %mul3A_338 = arith.muli %scan3A_335, %mul3A_337 : i32
        %add3A_339 = arith.constant 0 : i32
        %add3A_340 = arith.addi %add3A_339, %mul3A_338 : i32
        %swap3A_341 = arith.index_cast %add3A_340 : i32 to index
        %swap3A_342 = tpu.vector_load %arg32[%swap3A_341] {strides = array<i32>} : memref<640xi32, #tpu.memory_space<vmem>>, vector<16xi32>,
        %swap3A_343 = vector.shape_cast %swap3A_342 : vector<16xi32> to vector<16xi32>
        %swap3A_344 = vector.shape_cast %broadcast_in_dim3A_327 : vector<16xi32> to vector<16xi32>
        tpu.vector_store %arg32[%swap3A_341], %swap3A_344 {strides = array<i32>} : memref<640xi32, #tpu.memory_space<vmem>>, vector<16xi32>,
        %scan3A_345 = arith.constant 0 : i32
        scf.yield %scan3A_345 : i32
      }
      %scan3A_334 = arith.constant 30 : i32
    } else {
    }
    %dma_start3A_232 = arith.constant 0 : i32
    %dma_start3A_233 = tpu.memref_slice %arg28[%dma_start3A_232] : memref<6272xi32, #tpu.memory_space<vmem>> -> memref<3136xi32, #tpu.memory_space<vmem>>
    %dma_start3A_234 = arith.constant 0 : i32
    %dma_start3A_235 = tpu.memref_slice %arg19[%dma_start3A_234] : memref<40960xf32, #tpu.memory_space<vmem_shared>> -> memref<40960xf32, #tpu.memory_space<vmem_shared>>
    tpu.enqueue_indirect_dma source(%dma_start3A_235 : memref<40960xf32, #tpu.memory_space<vmem_shared>>) target(%arg33 : memref<3136xf32, #tpu.memory_space<vmem>>) offsets(%dma_start3A_233 : memref<3136xi32, #tpu.memory_space<vmem>>) semaphore(%arg52 : memref<!tpu.dma_semaphore, #tpu.memory_space<semaphore_mem>>)
    %dma_start3A_236 = arith.constant 3136 : i32
    %dma_start3A_237 = tpu.memref_slice %arg28[%dma_start3A_236] : memref<6272xi32, #tpu.memory_space<vmem>> -> memref<3136xi32, #tpu.memory_space<vmem>>
    %dma_start3A_238 = arith.constant 0 : i32
    %dma_start3A_239 = tpu.memref_slice %arg19[%dma_start3A_238] : memref<40960xf32, #tpu.memory_space<vmem_shared>> -> memref<40960xf32, #tpu.memory_space<vmem_shared>>
    tpu.enqueue_indirect_dma source(%dma_start3A_239 : memref<40960xf32, #tpu.memory_space<vmem_shared>>) target(%arg34 : memref<3136xf32, #tpu.memory_space<vmem>>) offsets(%dma_start3A_237 : memref<3136xi32, #tpu.memory_space<vmem>>) semaphore(%arg52 : memref<!tpu.dma_semaphore, #tpu.memory_space<semaphore_mem>>)
    %dma_start3A_240 = arith.constant 0 : i32
    %dma_start3A_241 = tpu.memref_slice %arg20[%dma_start3A_240] : memref<1024xf32, #tpu.memory_space<vmem_shared>> -> memref<1024xf32, #tpu.memory_space<vmem_shared>>
    tpu.enqueue_indirect_dma source(%dma_start3A_241 : memref<1024xf32, #tpu.memory_space<vmem_shared>>) target(%arg35 : memref<640xf32, #tpu.memory_space<vmem>>) offsets(%arg31 : memref<640xi32, #tpu.memory_space<vmem>>) semaphore(%arg52 : memref<!tpu.dma_semaphore, #tpu.memory_space<semaphore_mem>>)
    %dma_wait3A_242 = arith.constant 0 : i32
    %dma_wait3A_243 = tpu.memref_slice %arg28[%dma_wait3A_242] : memref<6272xi32, #tpu.memory_space<vmem>> -> memref<3136xi32, #tpu.memory_space<vmem>>
    %dma_wait3A_244 = arith.constant 0 : i32
    %dma_wait3A_245 = tpu.memref_slice %arg19[%dma_wait3A_244] : memref<40960xf32, #tpu.memory_space<vmem_shared>> -> memref<40960xf32, #tpu.memory_space<vmem_shared>>
    tpu.wait_indirect_dma semaphore(%arg52 : memref<!tpu.dma_semaphore, #tpu.memory_space<semaphore_mem>>) src(%dma_wait3A_245 : memref<40960xf32, #tpu.memory_space<vmem_shared>>) dst(%arg33 : memref<3136xf32, #tpu.memory_space<vmem>>)
    %dma_start3A_246 = arith.constant 0 : i32
    %dma_start3A_247 = tpu.memref_slice %arg17[%dma_start3A_246] : memref<3328xf32, #tpu.memory_space<vmem_shared>> -> memref<3328xf32, #tpu.memory_space<vmem_shared>>
    tpu.enqueue_indirect_dma source(%arg33 : memref<3136xf32, #tpu.memory_space<vmem>>) target(%dma_start3A_247 : memref<3328xf32, #tpu.memory_space<vmem_shared>>) offsets(%arg29 : memref<3136xi32, #tpu.memory_space<vmem>>) semaphore(%arg52 : memref<!tpu.dma_semaphore, #tpu.memory_space<semaphore_mem>>) {add = true}
    %dma_wait3A_248 = arith.constant 3136 : i32
    %dma_wait3A_249 = tpu.memref_slice %arg28[%dma_wait3A_248] : memref<6272xi32, #tpu.memory_space<vmem>> -> memref<3136xi32, #tpu.memory_space<vmem>>
    %dma_wait3A_250 = arith.constant 0 : i32
    %dma_wait3A_251 = tpu.memref_slice %arg19[%dma_wait3A_250] : memref<40960xf32, #tpu.memory_space<vmem_shared>> -> memref<40960xf32, #tpu.memory_space<vmem_shared>>
    tpu.wait_indirect_dma semaphore(%arg52 : memref<!tpu.dma_semaphore, #tpu.memory_space<semaphore_mem>>) src(%dma_wait3A_251 : memref<40960xf32, #tpu.memory_space<vmem_shared>>) dst(%arg34 : memref<3136xf32, #tpu.memory_space<vmem>>)
    %dma_start3A_252 = arith.constant 0 : i32
    %dma_start3A_253 = tpu.memref_slice %arg17[%dma_start3A_252] : memref<3328xf32, #tpu.memory_space<vmem_shared>> -> memref<3328xf32, #tpu.memory_space<vmem_shared>>
    tpu.enqueue_indirect_dma source(%arg34 : memref<3136xf32, #tpu.memory_space<vmem>>) target(%dma_start3A_253 : memref<3328xf32, #tpu.memory_space<vmem_shared>>) offsets(%arg30 : memref<3136xi32, #tpu.memory_space<vmem>>) semaphore(%arg52 : memref<!tpu.dma_semaphore, #tpu.memory_space<semaphore_mem>>) {add = true}
    %dma_wait3A_254 = arith.constant 0 : i32
    %dma_wait3A_255 = tpu.memref_slice %arg20[%dma_wait3A_254] : memref<1024xf32, #tpu.memory_space<vmem_shared>> -> memref<1024xf32, #tpu.memory_space<vmem_shared>>
    tpu.wait_indirect_dma semaphore(%arg52 : memref<!tpu.dma_semaphore, #tpu.memory_space<semaphore_mem>>) src(%dma_wait3A_255 : memref<1024xf32, #tpu.memory_space<vmem_shared>>) dst(%arg35 : memref<640xf32, #tpu.memory_space<vmem>>)
    %dma_start3A_256 = arith.constant 0 : i32
    %dma_start3A_257 = tpu.memref_slice %arg18[%dma_start3A_256] : memref<3328xf32, #tpu.memory_space<vmem_shared>> -> memref<3328xf32, #tpu.memory_space<vmem_shared>>
    tpu.enqueue_indirect_dma source(%arg35 : memref<640xf32, #tpu.memory_space<vmem>>) target(%dma_start3A_257 : memref<3328xf32, #tpu.memory_space<vmem_shared>>) offsets(%arg32 : memref<640xi32, #tpu.memory_space<vmem>>) semaphore(%arg52 : memref<!tpu.dma_semaphore, #tpu.memory_space<semaphore_mem>>) {add = true}
    %dma_wait3A_258 = arith.constant 0 : i32
    %dma_wait3A_259 = tpu.memref_slice %arg17[%dma_wait3A_258] : memref<3328xf32, #tpu.memory_space<vmem_shared>> -> memref<3328xf32, #tpu.memory_space<vmem_shared>>
    tpu.wait_indirect_dma semaphore(%arg52 : memref<!tpu.dma_semaphore, #tpu.memory_space<semaphore_mem>>) src(%arg33 : memref<3136xf32, #tpu.memory_space<vmem>>) dst(%dma_wait3A_259 : memref<3328xf32, #tpu.memory_space<vmem_shared>>)
    %dma_wait3A_260 = arith.constant 0 : i32
    %dma_wait3A_261 = tpu.memref_slice %arg17[%dma_wait3A_260] : memref<3328xf32, #tpu.memory_space<vmem_shared>> -> memref<3328xf32, #tpu.memory_space<vmem_shared>>
    tpu.wait_indirect_dma semaphore(%arg52 : memref<!tpu.dma_semaphore, #tpu.memory_space<semaphore_mem>>) src(%arg34 : memref<3136xf32, #tpu.memory_space<vmem>>) dst(%dma_wait3A_261 : memref<3328xf32, #tpu.memory_space<vmem_shared>>)
    %dma_wait3A_262 = arith.constant 0 : i32
    %dma_wait3A_263 = tpu.memref_slice %arg18[%dma_wait3A_262] : memref<3328xf32, #tpu.memory_space<vmem_shared>> -> memref<3328xf32, #tpu.memory_space<vmem_shared>>
    tpu.wait_indirect_dma semaphore(%arg52 : memref<!tpu.dma_semaphore, #tpu.memory_space<semaphore_mem>>) src(%arg35 : memref<640xf32, #tpu.memory_space<vmem>>) dst(%dma_wait3A_263 : memref<3328xf32, #tpu.memory_space<vmem_shared>>)
    %dma_wait3A_264 = arith.constant 0 : i32
    %dma_wait3A_265 = tpu.memref_slice %arg14[%dma_wait3A_264] : memref<3328xf32, #tpu.memory_space<vmem_shared>> -> memref<3328xf32, #tpu.memory_space<vmem_shared>>
    tpu.wait_indirect_dma semaphore(%arg51 : memref<!tpu.dma_semaphore, #tpu.memory_space<semaphore_mem>>) src(%arg22 : memref<12544xf32, #tpu.memory_space<vmem>>) dst(%dma_wait3A_265 : memref<3328xf32, #tpu.memory_space<vmem_shared>>)
    %dma_wait3A_266 = arith.constant 0 : i32
    %dma_wait3A_267 = tpu.memref_slice %arg16[%dma_wait3A_266] : memref<3328xf32, #tpu.memory_space<vmem_shared>> -> memref<3328xf32, #tpu.memory_space<vmem_shared>>
    tpu.wait_indirect_dma semaphore(%arg51 : memref<!tpu.dma_semaphore, #tpu.memory_space<semaphore_mem>>) src(%arg23 : memref<1280xf32, #tpu.memory_space<vmem>>) dst(%dma_wait3A_267 : memref<3328xf32, #tpu.memory_space<vmem_shared>>)
    %barrier3A_268 = arith.constant 0 : index
    tpu.barrier barrier_id(%barrier3A_268)
    %mul3A_269 = arith.constant 200 : i32
    %mul3A_270 = arith.muli %arg1, %mul3A_269 : i32
    %dma_start3A_271 = tpu.memref_slice %arg17[%mul3A_270] : memref<3328xf32, #tpu.memory_space<vmem_shared>> -> memref<208xf32, #tpu.memory_space<vmem_shared>>
    %dma_start3A_272 = tpu.memref_slice %arg17[%mul3A_270] : memref<3328xf32, #tpu.memory_space<vmem_shared>> -> memref<208xf32, #tpu.memory_space<vmem_shared>>
    tpu.enqueue_dma source(%dma_start3A_272 : memref<208xf32, #tpu.memory_space<vmem_shared>>) target(%arg44 : memref<208xf32, #tpu.memory_space<vmem>>) target_semaphore(%arg50 : memref<!tpu.dma_semaphore, #tpu.memory_space<semaphore_mem>>)
    %dma_start3A_273 = tpu.memref_slice %arg18[%mul3A_270] : memref<3328xf32, #tpu.memory_space<vmem_shared>> -> memref<208xf32, #tpu.memory_space<vmem_shared>>
    %dma_start3A_274 = tpu.memref_slice %arg18[%mul3A_270] : memref<3328xf32, #tpu.memory_space<vmem_shared>> -> memref<208xf32, #tpu.memory_space<vmem_shared>>
    tpu.enqueue_dma source(%dma_start3A_274 : memref<208xf32, #tpu.memory_space<vmem_shared>>) target(%arg45 : memref<208xf32, #tpu.memory_space<vmem>>) target_semaphore(%arg50 : memref<!tpu.dma_semaphore, #tpu.memory_space<semaphore_mem>>)
    %dma_start3A_275 = tpu.memref_slice %arg14[%mul3A_270] : memref<3328xf32, #tpu.memory_space<vmem_shared>> -> memref<208xf32, #tpu.memory_space<vmem_shared>>
    %dma_start3A_276 = tpu.memref_slice %arg14[%mul3A_270] : memref<3328xf32, #tpu.memory_space<vmem_shared>> -> memref<208xf32, #tpu.memory_space<vmem_shared>>
    tpu.enqueue_dma source(%dma_start3A_276 : memref<208xf32, #tpu.memory_space<vmem_shared>>) target(%arg46 : memref<208xf32, #tpu.memory_space<vmem>>) target_semaphore(%arg50 : memref<!tpu.dma_semaphore, #tpu.memory_space<semaphore_mem>>)
    %dma_start3A_277 = tpu.memref_slice %arg16[%mul3A_270] : memref<3328xf32, #tpu.memory_space<vmem_shared>> -> memref<208xf32, #tpu.memory_space<vmem_shared>>
    %dma_start3A_278 = tpu.memref_slice %arg16[%mul3A_270] : memref<3328xf32, #tpu.memory_space<vmem_shared>> -> memref<208xf32, #tpu.memory_space<vmem_shared>>
    tpu.enqueue_dma source(%dma_start3A_278 : memref<208xf32, #tpu.memory_space<vmem_shared>>) target(%arg47 : memref<208xf32, #tpu.memory_space<vmem>>) target_semaphore(%arg50 : memref<!tpu.dma_semaphore, #tpu.memory_space<semaphore_mem>>)
    %dma_wait3A_279 = tpu.memref_slice %arg17[%mul3A_270] : memref<3328xf32, #tpu.memory_space<vmem_shared>> -> memref<208xf32, #tpu.memory_space<vmem_shared>>
    %dma_wait3A_280 = tpu.memref_slice %arg17[%mul3A_270] : memref<3328xf32, #tpu.memory_space<vmem_shared>> -> memref<208xf32, #tpu.memory_space<vmem_shared>>
    tpu.wait_dma2 semaphore(%arg50 : memref<!tpu.dma_semaphore, #tpu.memory_space<semaphore_mem>>) src(%dma_wait3A_280 : memref<208xf32, #tpu.memory_space<vmem_shared>>) dst(%arg44 : memref<208xf32, #tpu.memory_space<vmem>>)
    %dma_wait3A_281 = tpu.memref_slice %arg18[%mul3A_270] : memref<3328xf32, #tpu.memory_space<vmem_shared>> -> memref<208xf32, #tpu.memory_space<vmem_shared>>
    %dma_wait3A_282 = tpu.memref_slice %arg18[%mul3A_270] : memref<3328xf32, #tpu.memory_space<vmem_shared>> -> memref<208xf32, #tpu.memory_space<vmem_shared>>
    tpu.wait_dma2 semaphore(%arg50 : memref<!tpu.dma_semaphore, #tpu.memory_space<semaphore_mem>>) src(%dma_wait3A_282 : memref<208xf32, #tpu.memory_space<vmem_shared>>) dst(%arg45 : memref<208xf32, #tpu.memory_space<vmem>>)
    %dma_wait3A_283 = tpu.memref_slice %arg14[%mul3A_270] : memref<3328xf32, #tpu.memory_space<vmem_shared>> -> memref<208xf32, #tpu.memory_space<vmem_shared>>
    %dma_wait3A_284 = tpu.memref_slice %arg14[%mul3A_270] : memref<3328xf32, #tpu.memory_space<vmem_shared>> -> memref<208xf32, #tpu.memory_space<vmem_shared>>
    tpu.wait_dma2 semaphore(%arg50 : memref<!tpu.dma_semaphore, #tpu.memory_space<semaphore_mem>>) src(%dma_wait3A_284 : memref<208xf32, #tpu.memory_space<vmem_shared>>) dst(%arg46 : memref<208xf32, #tpu.memory_space<vmem>>)
    %dma_wait3A_285 = tpu.memref_slice %arg16[%mul3A_270] : memref<3328xf32, #tpu.memory_space<vmem_shared>> -> memref<208xf32, #tpu.memory_space<vmem_shared>>
    %dma_wait3A_286 = tpu.memref_slice %arg16[%mul3A_270] : memref<3328xf32, #tpu.memory_space<vmem_shared>> -> memref<208xf32, #tpu.memory_space<vmem_shared>>
    tpu.wait_dma2 semaphore(%arg50 : memref<!tpu.dma_semaphore, #tpu.memory_space<semaphore_mem>>) src(%dma_wait3A_286 : memref<208xf32, #tpu.memory_space<vmem_shared>>) dst(%arg47 : memref<208xf32, #tpu.memory_space<vmem>>)
    %iota3A = tpu.iota {dimensions = array<i32: 0>} : vector<16xi32>
    %broadcast_in_dim3A = arith.constant 0.000000e+00 : f32
    %broadcast_in_dim3A_287 = vector.broadcast %broadcast_in_dim3A : f32 to vector<16xf32>
    %scan3A_288 = arith.constant 0 : i32
    %scan3A_289 = arith.constant 13 : i32
    %scan3A_290 = arith.addi %scan3A_288, %scan3A_289 : i32
    %scan3A_291 = arith.constant 1 : i32
    %scan3A_292 = scf.for %scan3A_299 = %scan3A_288 to %scan3A_290 step %scan3A_291 iter_args(%scan3A_300 = %broadcast_in_dim3A_287) -> (vector<16xf32>)  : i32 {
      %mul3A_301 = arith.constant 16 : i32
      %mul3A_302 = arith.muli %scan3A_299, %mul3A_301 : i32
      %get3A = arith.index_cast %mul3A_302 : i32 to index
      %get3A_303 = tpu.vector_load %arg46[%get3A] {strides = array<i32>} : memref<208xf32, #tpu.memory_space<vmem>>, vector<16xf32>,
      %get3A_304 = vector.shape_cast %get3A_303 : vector<16xf32> to vector<16xf32>
      %max3A = arith.constant 1.000000e+00 : f32
      %max3A_305 = vector.broadcast %max3A : f32 to vector<16xf32>
      %max3A_306 = arith.maximumf %get3A_304, %max3A_305 : vector<16xf32>
      %mul3A_307 = arith.constant 16 : i32
      %mul3A_308 = arith.muli %scan3A_299, %mul3A_307 : i32
      %get3A_309 = arith.index_cast %mul3A_308 : i32 to index
      %get3A_310 = tpu.vector_load %arg47[%get3A_309] {strides = array<i32>} : memref<208xf32, #tpu.memory_space<vmem>>, vector<16xf32>,
      %get3A_311 = vector.shape_cast %get3A_310 : vector<16xf32> to vector<16xf32>
      %max3A_312 = arith.constant 1.000000e+00 : f32
      %max3A_313 = vector.broadcast %max3A_312 : f32 to vector<16xf32>
      %max3A_314 = arith.maximumf %get3A_311, %max3A_313 : vector<16xf32>
      %mul3A_315 = arith.constant 16 : i32
      %mul3A_316 = arith.muli %scan3A_299, %mul3A_315 : i32
      %get3A_317 = arith.index_cast %mul3A_316 : i32 to index
      %get3A_318 = tpu.vector_load %arg44[%get3A_317] {strides = array<i32>} : memref<208xf32, #tpu.memory_space<vmem>>, vector<16xf32>,
      %get3A_319 = vector.shape_cast %get3A_318 : vector<16xf32> to vector<16xf32>
      %bitcast_convert_type3A = tpu.bitcast %max3A_306 : vector<16xf32> -> vector<16xi32>
      %shift_right_arithmetic3A = arith.constant 1 : i32
      %shift_right_arithmetic3A_320 = vector.broadcast %shift_right_arithmetic3A : i32 to vector<16xi32>
      %shift_right_arithmetic3A_321 = arith.shrsi %bitcast_convert_type3A, %shift_right_arithmetic3A_320 : vector<16xi32>
      %sub3A = arith.constant 1597463007 : i32
      %sub3A_322 = vector.broadcast %sub3A : i32 to vector<16xi32>
      %sub3A_323 = arith.subi %sub3A_322, %shift_right_arithmetic3A_321 : vector<16xi32>
      %bitcast_convert_type3A_324 = tpu.bitcast %sub3A_323 : vector<16xi32> -> vector<16xf32>
      %mul3A_325 = arith.constant 5.000000e-01 : f32
      %mul3A_326 = vector.broadcast %mul3A_325 : f32 to vector<16xf32>
      %mul3A_327 = arith.mulf %mul3A_326, %max3A_306 : vector<16xf32>
      %mul3A_328 = arith.mulf %mul3A_327, %bitcast_convert_type3A_324 : vector<16xf32>
      %mul3A_329 = arith.mulf %mul3A_328, %bitcast_convert_type3A_324 : vector<16xf32>
      %sub3A_330 = arith.constant 1.500000e+00 : f32
      %sub3A_331 = vector.broadcast %sub3A_330 : f32 to vector<16xf32>
      %sub3A_332 = arith.subf %sub3A_331, %mul3A_329 : vector<16xf32>
      %mul3A_333 = arith.mulf %bitcast_convert_type3A_324, %sub3A_332 : vector<16xf32>
      %mul3A_334 = arith.constant 5.000000e-01 : f32
      %mul3A_335 = vector.broadcast %mul3A_334 : f32 to vector<16xf32>
      %mul3A_336 = arith.mulf %mul3A_335, %max3A_306 : vector<16xf32>
      %mul3A_337 = arith.mulf %mul3A_336, %mul3A_333 : vector<16xf32>
      %mul3A_338 = arith.mulf %mul3A_337, %mul3A_333 : vector<16xf32>
      %sub3A_339 = arith.constant 1.500000e+00 : f32
      %sub3A_340 = vector.broadcast %sub3A_339 : f32 to vector<16xf32>
      %sub3A_341 = arith.subf %sub3A_340, %mul3A_338 : vector<16xf32>
      %mul3A_342 = arith.mulf %mul3A_333, %sub3A_341 : vector<16xf32>
      %mul3A_343 = arith.mulf %get3A_319, %mul3A_342 : vector<16xf32>
      %mul3A_344 = arith.constant 16 : i32
      %mul3A_345 = arith.muli %scan3A_299, %mul3A_344 : i32
      %get3A_346 = arith.index_cast %mul3A_345 : i32 to index
      %get3A_347 = tpu.vector_load %arg45[%get3A_346] {strides = array<i32>} : memref<208xf32, #tpu.memory_space<vmem>>, vector<16xf32>,
      %get3A_348 = vector.shape_cast %get3A_347 : vector<16xf32> to vector<16xf32>
      %bitcast_convert_type3A_349 = tpu.bitcast %max3A_314 : vector<16xf32> -> vector<16xi32>
      %shift_right_arithmetic3A_350 = arith.constant 1 : i32
      %shift_right_arithmetic3A_351 = vector.broadcast %shift_right_arithmetic3A_350 : i32 to vector<16xi32>
      %shift_right_arithmetic3A_352 = arith.shrsi %bitcast_convert_type3A_349, %shift_right_arithmetic3A_351 : vector<16xi32>
      %sub3A_353 = arith.constant 1597463007 : i32
      %sub3A_354 = vector.broadcast %sub3A_353 : i32 to vector<16xi32>
      %sub3A_355 = arith.subi %sub3A_354, %shift_right_arithmetic3A_352 : vector<16xi32>
      %bitcast_convert_type3A_356 = tpu.bitcast %sub3A_355 : vector<16xi32> -> vector<16xf32>
      %mul3A_357 = arith.constant 5.000000e-01 : f32
      %mul3A_358 = vector.broadcast %mul3A_357 : f32 to vector<16xf32>
      %mul3A_359 = arith.mulf %mul3A_358, %max3A_314 : vector<16xf32>
      %mul3A_360 = arith.mulf %mul3A_359, %bitcast_convert_type3A_356 : vector<16xf32>
      %mul3A_361 = arith.mulf %mul3A_360, %bitcast_convert_type3A_356 : vector<16xf32>
      %sub3A_362 = arith.constant 1.500000e+00 : f32
      %sub3A_363 = vector.broadcast %sub3A_362 : f32 to vector<16xf32>
      %sub3A_364 = arith.subf %sub3A_363, %mul3A_361 : vector<16xf32>
      %mul3A_365 = arith.mulf %bitcast_convert_type3A_356, %sub3A_364 : vector<16xf32>
      %mul3A_366 = arith.constant 5.000000e-01 : f32
      %mul3A_367 = vector.broadcast %mul3A_366 : f32 to vector<16xf32>
      %mul3A_368 = arith.mulf %mul3A_367, %max3A_314 : vector<16xf32>
      %mul3A_369 = arith.mulf %mul3A_368, %mul3A_365 : vector<16xf32>
      %mul3A_370 = arith.mulf %mul3A_369, %mul3A_365 : vector<16xf32>
      %sub3A_371 = arith.constant 1.500000e+00 : f32
      %sub3A_372 = vector.broadcast %sub3A_371 : f32 to vector<16xf32>
      %sub3A_373 = arith.subf %sub3A_372, %mul3A_370 : vector<16xf32>
      %mul3A_374 = arith.mulf %mul3A_365, %sub3A_373 : vector<16xf32>
      %mul3A_375 = arith.mulf %get3A_348, %mul3A_374 : vector<16xf32>
      %add3A_376 = arith.addf %mul3A_343, %mul3A_375 : vector<16xf32>
      %mul3A_377 = arith.constant 16 : i32
      %mul3A_378 = arith.muli %scan3A_299, %mul3A_377 : i32
      %add3A_379 = vector.broadcast %mul3A_378 : i32 to vector<16xi32>
      %add3A_380 = arith.addi %add3A_379, %iota3A : vector<16xi32>
      %lt3A = arith.constant 200 : i32
      %lt3A_381 = vector.broadcast %lt3A : i32 to vector<16xi32>
      %lt3A_382 = arith.cmpi slt, %add3A_380, %lt3A_381 : vector<16xi32>
      %jit3A_383 = arith.constant 0.000000e+00 : f32
      %broadcast_in_dim3A_384 = vector.broadcast %jit3A_383 : f32 to vector<16xf32>
      %select_n3A_385 = arith.select %lt3A_382, %add3A_376, %broadcast_in_dim3A_384 : vector<16xi1>, vector<16xf32>
      %add3A_386 = arith.addf %scan3A_300, %select_n3A_385 : vector<16xf32>
      scf.yield %add3A_386 : vector<16xf32>
    }
    %scan3A_293 = arith.constant 13 : i32
    %swap3A = arith.constant 0 : index
    %swap3A_294 = tpu.vector_load %arg48[%swap3A] {strides = array<i32>} : memref<16xf32, #tpu.memory_space<vmem>>, vector<16xf32>,
    %swap3A_295 = vector.shape_cast %swap3A_294 : vector<16xf32> to vector<16xf32>
    %swap3A_296 = vector.shape_cast %scan3A_292 : vector<16xf32> to vector<16xf32>
    tpu.vector_store %arg48[%swap3A], %swap3A_296 {strides = array<i32>} : memref<16xf32, #tpu.memory_space<vmem>>, vector<16xf32>,
    %mul3A_297 = arith.constant 16 : i32
    %mul3A_298 = arith.muli %add3A, %mul3A_297 : i32
    "tpu.region"() ({
      %run_scoped3A = tpu.sem_alloc : memref<!tpu.dma_semaphore, #tpu.memory_space<semaphore_mem>>
      %dma_start3A_299 = tpu.memref_slice %arg12[%mul3A_298] : memref<512xf32, #tpu.memory_space<hbm>> -> memref<16xf32, #tpu.memory_space<hbm>>
      %dma_start3A_300 = tpu.memref_slice %arg12[%mul3A_298] : memref<512xf32, #tpu.memory_space<hbm>> -> memref<16xf32, #tpu.memory_space<hbm>>
      tpu.enqueue_dma source(%arg48 : memref<16xf32, #tpu.memory_space<vmem>>) target(%dma_start3A_300 : memref<16xf32, #tpu.memory_space<hbm>>) target_semaphore(%run_scoped3A : memref<!tpu.dma_semaphore, #tpu.memory_space<semaphore_mem>>)
      %dma_wait3A_301 = tpu.memref_slice %arg12[%mul3A_298] : memref<512xf32, #tpu.memory_space<hbm>> -> memref<16xf32, #tpu.memory_space<hbm>>
      %dma_wait3A_302 = tpu.memref_slice %arg12[%mul3A_298] : memref<512xf32, #tpu.memory_space<hbm>> -> memref<16xf32, #tpu.memory_space<hbm>>
      tpu.wait_dma2 semaphore(%run_scoped3A : memref<!tpu.dma_semaphore, #tpu.memory_space<semaphore_mem>>) src(%arg48 : memref<16xf32, #tpu.memory_space<vmem>>) dst(%dma_wait3A_302 : memref<16xf32, #tpu.memory_space<hbm>>)
      tpu.yield
    }) : () -> ()
    return
  }
}

module attributes {stable_mosaic.version = 14 : i64} {
  func.func @_k1_body(%arg0: i32, %arg1: memref<3072x128xf32, #tpu.memory_space<vmem>>, %arg2: memref<50x128xf32, #tpu.memory_space<vmem>>, %arg3: memref<128x128xf32, #tpu.memory_space<vmem>>, %arg4: memref<128x128xf32, #tpu.memory_space<vmem>>, %arg5: memref<128x1xf32, #tpu.memory_space<vmem>>, %arg6: memref<3072x128xf32, #tpu.memory_space<vmem>>, %arg7: memref<50x128xf32, #tpu.memory_space<vmem>>) attributes {dimension_semantics = [#tpu.dimension_semantics<arbitrary>], iteration_bounds = array<i64: 5>, scalar_prefetch = 0 : i64, scratch_operands = 0 : i64, tpu.core_type = #tpu.core_type<tc>, window_params = [{transform_indices = @transform_0, window_bounds = array<i64: 3072, 128>}, {pipeline_mode = #tpu.pipeline_mode<synchronous>, transform_indices = @transform_1, window_bounds = array<i64: 50, 128>}, {pipeline_mode = #tpu.pipeline_mode<synchronous>, transform_indices = @transform_2, window_bounds = array<i64: 128, 128>}, {pipeline_mode = #tpu.pipeline_mode<synchronous>, transform_indices = @transform_3, window_bounds = array<i64: 128, 128>}, {pipeline_mode = #tpu.pipeline_mode<synchronous>, transform_indices = @transform_4, window_bounds = array<i64: 128, 1>}, {transform_indices = @transform_5, window_bounds = array<i64: 3072, 128>}, {pipeline_mode = #tpu.pipeline_mode<synchronous>, transform_indices = @transform_6, window_bounds = array<i64: 50, 128>}]} {
    %get3A = arith.constant 0 : index
    %get3A_0 = arith.constant 0 : index
    %get3A_1 = vector.load %arg5[%get3A, %get3A_0] : memref<128x1xf32, #tpu.memory_space<vmem>>, vector<128x1xf32>
    %get3A_2 = arith.constant 0 : index
    %get3A_3 = arith.constant 0 : index
    %get3A_4 = vector.load %arg3[%get3A_2, %get3A_3] : memref<128x128xf32, #tpu.memory_space<vmem>>, vector<128x128xf32>
    %dot_general3A = arith.constant dense<0.000000e+00> : vector<128x1xf32>
    %dot_general3A_5 = tpu.matmul %get3A_4, %get3A_1, %dot_general3A {dimension_numbers = #tpu.dot_dimension_numbers<[1], [0], [0], [1], [0, 0, 1, 1], [], []>, transpose_lhs_hint = false} : vector<128x128xf32>, vector<128x1xf32>, vector<128x1xf32> -> vector<128x1xf32>
    %get3A_6 = arith.constant 0 : index
    %get3A_7 = arith.constant 0 : index
    %get3A_8 = vector.load %arg1[%get3A_6, %get3A_7] : memref<3072x128xf32, #tpu.memory_space<vmem>>, vector<3072x128xf32>
    %dot_general3A_9 = arith.constant dense<0.000000e+00> : vector<3072x1xf32>
    %dot_general3A_10 = tpu.matmul %get3A_8, %dot_general3A_5, %dot_general3A_9 {dimension_numbers = #tpu.dot_dimension_numbers<[1], [0], [0], [1], [0, 0, 1, 1], [], []>, transpose_lhs_hint = false} : vector<3072x128xf32>, vector<128x1xf32>, vector<3072x1xf32> -> vector<3072x1xf32>
    %broadcast_in_dim3A = vector.shape_cast %dot_general3A_10 : vector<3072x1xf32> to vector<3072x1xf32>
    %broadcast_in_dim3A_11 = vector.broadcast %broadcast_in_dim3A : vector<3072x1xf32> to vector<3072x128xf32>
    %swap3A = arith.constant 0 : index
    %swap3A_12 = arith.constant 0 : index
    %swap3A_13 = vector.load %arg6[%swap3A, %swap3A_12] : memref<3072x128xf32, #tpu.memory_space<vmem>>, vector<3072x128xf32>
    tpu.vector_store %arg6[%swap3A, %swap3A_12], %broadcast_in_dim3A_11 {strides = array<i32>} : memref<3072x128xf32, #tpu.memory_space<vmem>>, vector<3072x128xf32>,
    %eq3A = arith.constant 0 : i32
    %eq3A_14 = arith.cmpi eq, %arg0, %eq3A : i32
    %convert_element_type3A = arith.extui %eq3A_14 : i1 to i32
    %cond3A = arith.constant 0 : i32
    %cond3A_15 = arith.cmpi ne, %convert_element_type3A, %cond3A : i32
    scf.if %cond3A_15 {
      %get3A_16 = arith.constant 0 : index
      %get3A_17 = arith.constant 0 : index
      %get3A_18 = vector.load %arg4[%get3A_16, %get3A_17] : memref<128x128xf32, #tpu.memory_space<vmem>>, vector<128x128xf32>
      %dot_general3A_19 = arith.constant dense<0.000000e+00> : vector<128x1xf32>
      %dot_general3A_20 = tpu.matmul %get3A_18, %get3A_1, %dot_general3A_19 {dimension_numbers = #tpu.dot_dimension_numbers<[1], [0], [0], [1], [0, 0, 1, 1], [], []>, transpose_lhs_hint = false} : vector<128x128xf32>, vector<128x1xf32>, vector<128x1xf32> -> vector<128x1xf32>
      %get3A_21 = arith.constant 0 : index
      %get3A_22 = arith.constant 0 : index
      %get3A_23 = vector.load %arg2[%get3A_21, %get3A_22] : memref<50x128xf32, #tpu.memory_space<vmem>>, vector<50x128xf32>
      %dot_general3A_24 = arith.constant dense<0.000000e+00> : vector<50x1xf32>
      %dot_general3A_25 = tpu.matmul %get3A_23, %dot_general3A_20, %dot_general3A_24 {dimension_numbers = #tpu.dot_dimension_numbers<[1], [0], [0], [1], [0, 0, 1, 1], [], []>, transpose_lhs_hint = false} : vector<50x128xf32>, vector<128x1xf32>, vector<50x1xf32> -> vector<50x1xf32>
      %broadcast_in_dim3A_26 = vector.shape_cast %dot_general3A_25 : vector<50x1xf32> to vector<50x1xf32>
      %broadcast_in_dim3A_27 = vector.broadcast %broadcast_in_dim3A_26 : vector<50x1xf32> to vector<50x128xf32>
      %swap3A_28 = arith.constant 0 : index
      %swap3A_29 = arith.constant 0 : index
      %swap3A_30 = vector.load %arg7[%swap3A_28, %swap3A_29] : memref<50x128xf32, #tpu.memory_space<vmem>>, vector<50x128xf32>
      tpu.vector_store %arg7[%swap3A_28, %swap3A_29], %broadcast_in_dim3A_27 {strides = array<i32>} : memref<50x128xf32, #tpu.memory_space<vmem>>, vector<50x128xf32>,
    } else {
    }
    return
  }
  func.func @transform_0(%arg0: i32) -> (i32, i32) {
    %c0_i32 = arith.constant 0 : i32
    %c0_i32_0 = arith.constant 0 : i32
    return %arg0, %c0_i32 : i32, i32
  }
  func.func @transform_1(%arg0: i32) -> (i32, i32) {
    %c0_i32 = arith.constant 0 : i32
    %c0_i32_0 = arith.constant 0 : i32
    %c0_i32_1 = arith.constant 0 : i32
    return %c0_i32, %c0_i32_0 : i32, i32
  }
  func.func @transform_2(%arg0: i32) -> (i32, i32) {
    %c0_i32 = arith.constant 0 : i32
    %c0_i32_0 = arith.constant 0 : i32
    %c0_i32_1 = arith.constant 0 : i32
    return %c0_i32, %c0_i32_0 : i32, i32
  }
  func.func @transform_3(%arg0: i32) -> (i32, i32) {
    %c0_i32 = arith.constant 0 : i32
    %c0_i32_0 = arith.constant 0 : i32
    %c0_i32_1 = arith.constant 0 : i32
    return %c0_i32, %c0_i32_0 : i32, i32
  }
  func.func @transform_4(%arg0: i32) -> (i32, i32) {
    %c0_i32 = arith.constant 0 : i32
    %c0_i32_0 = arith.constant 0 : i32
    %c0_i32_1 = arith.constant 0 : i32
    return %c0_i32, %c0_i32_0 : i32, i32
  }
  func.func @transform_5(%arg0: i32) -> (i32, i32) {
    %c0_i32 = arith.constant 0 : i32
    %c0_i32_0 = arith.constant 0 : i32
    return %arg0, %c0_i32 : i32, i32
  }
  func.func @transform_6(%arg0: i32) -> (i32, i32) {
    %c0_i32 = arith.constant 0 : i32
    %c0_i32_0 = arith.constant 0 : i32
    %c0_i32_1 = arith.constant 0 : i32
    return %c0_i32, %c0_i32_0 : i32, i32
  }
}

module attributes {stable_mosaic.version = 14 : i64} {
  func.func @_k3_body(%arg0: memref<32x16xf32, #tpu.memory_space<vmem>>, %arg1: memref<1x16xf32, #tpu.memory_space<vmem>>, %arg2: memref<1x128xf32, #tpu.memory_space<vmem>>, %arg3: memref<1x128xf32, #tpu.memory_space<vmem>>, %arg4: memref<128x1xf32, #tpu.memory_space<vmem>>, %arg5: memref<1x1xf32, #tpu.memory_space<vmem>>, %arg6: memref<1x1xf32, #tpu.memory_space<vmem>>, %arg7: memref<1x16xf32, #tpu.memory_space<vmem>>) attributes {dimension_semantics = [], scalar_prefetch = 0 : i64, scratch_operands = 0 : i64, tpu.core_type = #tpu.core_type<tc>} {
    %get3A = arith.constant 0 : index
    %get3A_0 = arith.constant 0 : index
    %get3A_1 = vector.load %arg0[%get3A, %get3A_0] : memref<32x16xf32, #tpu.memory_space<vmem>>, vector<32x16xf32>
    %reduce_sum3A = arith.constant dense<0.000000e+00> : vector<16xf32>
    %reduce_sum3A_2 = vector.multi_reduction <add>, %get3A_1, %reduce_sum3A [0] : vector<32x16xf32> to vector<16xf32>
    %broadcast_in_dim3A = vector.shape_cast %reduce_sum3A_2 : vector<16xf32> to vector<1x16xf32>
    %get3A_3 = arith.constant 0 : index
    %get3A_4 = arith.constant 0 : index
    %get3A_5 = vector.load %arg2[%get3A_3, %get3A_4] : memref<1x128xf32, #tpu.memory_space<vmem>>, vector<1x128xf32>
    %get3A_6 = arith.constant 0 : index
    %get3A_7 = arith.constant 0 : index
    %get3A_8 = vector.load %arg3[%get3A_6, %get3A_7] : memref<1x128xf32, #tpu.memory_space<vmem>>, vector<1x128xf32>
    %add3A = arith.addf %get3A_5, %get3A_8 : vector<1x128xf32>
    %get3A_9 = arith.constant 0 : index
    %get3A_10 = arith.constant 0 : index
    %get3A_11 = vector.load %arg4[%get3A_9, %get3A_10] : memref<128x1xf32, #tpu.memory_space<vmem>>, vector<128x1xf32>
    %transpose3A = tpu.transpose %get3A_11, [1, 0] : vector<128x1xf32> -> vector<1x128xf32>
    %mul3A = arith.mulf %add3A, %transpose3A : vector<1x128xf32>
    %reduce_sum3A_12 = vector.shape_cast %mul3A : vector<1x128xf32> to vector<1x1x128xf32>
    %reduce_sum3A_13 = arith.constant dense<0.000000e+00> : vector<1xf32>
    %reduce_sum3A_14 = vector.multi_reduction <add>, %reduce_sum3A_12, %reduce_sum3A_13 [1, 2] : vector<1x1x128xf32> to vector<1xf32>
    %reduce_sum3A_15 = vector.shape_cast %reduce_sum3A_14 : vector<1xf32> to vector<1x1x1xf32>
    %reduce_sum3A_16 = vector.extract %reduce_sum3A_15[0, 0, 0] : f32 from vector<1x1x1xf32>
    %get3A_17 = arith.constant 0 : index
    %get3A_18 = arith.constant 0 : index
    %get3A_19 = vector.load %arg5[%get3A_17, %get3A_18] : memref<1x1xf32, #tpu.memory_space<vmem>>, vector<1x1xf32>
    %get3A_20 = vector.extract %get3A_19[0, 0] : f32 from vector<1x1xf32>
    %add3A_21 = arith.addf %reduce_sum3A_16, %get3A_20 : f32
    %div3A = arith.constant 2.000000e+02 : f32
    %div3A_22 = vector.broadcast %div3A : f32 to vector<1x16xf32>
    %div3A_23 = arith.divf %broadcast_in_dim3A, %div3A_22 : vector<1x16xf32>
    %add3A_24 = vector.broadcast %add3A_21 : f32 to vector<1x16xf32>
    %add3A_25 = arith.addf %div3A_23, %add3A_24 : vector<1x16xf32>
    %get3A_26 = arith.constant 0 : index
    %get3A_27 = arith.constant 0 : index
    %get3A_28 = vector.load %arg1[%get3A_26, %get3A_27] : memref<1x16xf32, #tpu.memory_space<vmem>>, vector<1x16xf32>
    %max3A = arith.constant 0.000000e+00 : f32
    %max3A_29 = vector.broadcast %max3A : f32 to vector<1x16xf32>
    %max3A_30 = arith.maximumf %add3A_25, %max3A_29 : vector<1x16xf32>
    %mul3A_31 = arith.mulf %add3A_25, %get3A_28 : vector<1x16xf32>
    %sub3A = arith.subf %max3A_30, %mul3A_31 : vector<1x16xf32>
    %abs3A = math.absf %add3A_25 : vector<1x16xf32>
    %neg3A = arith.constant 0.000000e+00 : f32
    %neg3A_32 = vector.broadcast %neg3A : f32 to vector<1x16xf32>
    %neg3A_33 = arith.subf %neg3A_32, %abs3A : vector<1x16xf32>
    %exp3A = math.exp %neg3A_33 : vector<1x16xf32>
    %add3A_34 = arith.constant 1.000000e+00 : f32
    %add3A_35 = vector.broadcast %add3A_34 : f32 to vector<1x16xf32>
    %add3A_36 = arith.addf %add3A_35, %exp3A : vector<1x16xf32>
    %log3A = math.log %add3A_36 : vector<1x16xf32>
    %add3A_37 = arith.addf %sub3A, %log3A : vector<1x16xf32>
    %reduce_sum3A_38 = vector.shape_cast %add3A_37 : vector<1x16xf32> to vector<1x1x16xf32>
    %reduce_sum3A_39 = arith.constant dense<0.000000e+00> : vector<1xf32>
    %reduce_sum3A_40 = vector.multi_reduction <add>, %reduce_sum3A_38, %reduce_sum3A_39 [1, 2] : vector<1x1x16xf32> to vector<1xf32>
    %reduce_sum3A_41 = vector.shape_cast %reduce_sum3A_40 : vector<1xf32> to vector<1x1x1xf32>
    %reduce_sum3A_42 = vector.extract %reduce_sum3A_41[0, 0, 0] : f32 from vector<1x1x1xf32>
    %broadcast_in_dim3A_43 = vector.broadcast %reduce_sum3A_42 : f32 to vector<1x1xf32>
    %div3A_44 = arith.constant 1.600000e+01 : f32
    %div3A_45 = vector.broadcast %div3A_44 : f32 to vector<1x1xf32>
    %div3A_46 = arith.divf %broadcast_in_dim3A_43, %div3A_45 : vector<1x1xf32>
    %swap3A = arith.constant 0 : index
    %swap3A_47 = arith.constant 0 : index
    %swap3A_48 = vector.load %arg6[%swap3A, %swap3A_47] : memref<1x1xf32, #tpu.memory_space<vmem>>, vector<1x1xf32>
    tpu.vector_store %arg6[%swap3A, %swap3A_47], %div3A_46 {strides = array<i32>} : memref<1x1xf32, #tpu.memory_space<vmem>>, vector<1x1xf32>,
    %neg3A_49 = arith.constant 0.000000e+00 : f32
    %neg3A_50 = vector.broadcast %neg3A_49 : f32 to vector<1x16xf32>
    %neg3A_51 = arith.subf %neg3A_50, %add3A_25 : vector<1x16xf32>
    %exp3A_52 = math.exp %neg3A_51 : vector<1x16xf32>
    %add3A_53 = arith.constant 1.000000e+00 : f32
    %add3A_54 = vector.broadcast %add3A_53 : f32 to vector<1x16xf32>
    %add3A_55 = arith.addf %add3A_54, %exp3A_52 : vector<1x16xf32>
    %div3A_56 = arith.constant 1.000000e+00 : f32
    %div3A_57 = vector.broadcast %div3A_56 : f32 to vector<1x16xf32>
    %div3A_58 = arith.divf %div3A_57, %add3A_55 : vector<1x16xf32>
    %swap3A_59 = arith.constant 0 : index
    %swap3A_60 = arith.constant 0 : index
    %swap3A_61 = vector.load %arg7[%swap3A_59, %swap3A_60] : memref<1x16xf32, #tpu.memory_space<vmem>>, vector<1x16xf32>
    tpu.vector_store %arg7[%swap3A_59, %swap3A_60], %div3A_58 {strides = array<i32>} : memref<1x16xf32, #tpu.memory_space<vmem>>, vector<1x16xf32>,
    return
  }
}

</mosaic_0001>

<sc_bundles>
// kernel: kernel.5.cloned.1.call-start
scs
__scs_entry_jumppad:
0x0: {  	(pc) =	sbr.rel $0x88, $3  }
0x1: {  	(tag) =	ssettag $0x0;
	lr =	simm.s32 $0x1  }
0x2: {  	[smem:$0x3F92] =	sst lr;
	_ =	strace $0xD0000000  }
0x3: {  	_ = 	snop  }
0x4: {  	_ = 	snop  }
0x5: {  	_ = 	snop  }
0x6: {  	_ = 	snop  }
0x7: {  	_ = 	snop  }
__scs_overlays_trampoline_lowered:
0x8: {  	[smem:$0x3FA1] =	sst s0  }
0x9: {  	[smem:$0x3FA2] =	sst s1  }
0xa: {  	[smem:$0x3FA3] =	sst s2  }
0xb: {  	[smem:$0x3FA4] =	sst s3  }
0xc: {  	[smem:$0x3FA5] =	sst s4  }
0xd: {  	[smem:$0x3FA6] =	sst s5  }
0xe: {  	[smem:$0x3FA7] =	sst s6  }
0xf: {  	[smem:$0x3FA8] =	sst s7  }
0x10: {  	[smem:$0x3FA9] =	sst s8  }
0x11: {  	[smem:$0x3FAA] =	sst s9;
	s0 =	simm.s32 @!p0 $0x0  }
0x12: {  	s1 =	sld [smem:$0x3F90];
	s0 =	simm.s32 @p0 $0x1  }
0x13: {  	[smem:$0x3FAB] =	sst s0;
	s0 =	simm.s32 @!p1 $0x0  }
0x14: {  	s2 =	sld [smem:$0x3F8F];
	s0 =	simm.s32 @p1 $0x1  }
0x15: {  	[smem:$0x3FAC] =	sst s0;
	s0 =	simm.s32 @!p2 $0x0  }
0x16: {  	s3 =	sld [smem:$0x3FDB];
	s0 =	simm.s32 @p2 $0x1  }
0x17: {  	s4 =	simm.s32 $0x1BF5;
	[smem:$0x3FAE] =	sst s0  }
0x18: {  	s0 =	sld [smem:$0x3F91];
	_ =	swait.ge [sflag:s4], $0x0  }
0x19: {  	s7 =	sld [smem:$0x3F92]  }
0x1a: {  	s8 =	sadd.s32 $0xFFFFE003, lr  }
0x1b: {  	s9 =	sadd.s32 $0xFFFFFEF7, lr;
	s5 =	simm.s32 $0xFFFFFFFF;
	p2 =	slt.u32 s8, $0xFFFFF086  }
0x1c: {  	p1 =	slt.u32 s9, $0xF7A;
	s5 =	simm.s32 @!p2 $0x0  }
0x1d: {  	s5 =	simm.s32 @p1 $0x1;
	p0 =	seq.s32 s7, s2  }
0x1e: {  	s7 =	smul.u32 @!p0 $0xF7A, s2;
	p2 =	seq.s32 @!p0 s5, $0x0  }
0x1f: {  	s9 =	smul.u32 $0xF7A, s1;
	s8 =	simm.s32 @!p0 $0x1BF5;
	p2 =	por !p2, p0  }
0x20: {  	[sflag:s8] =	ssyncset.s32 @!p0 $0xFFFFF086;
	s6 =	sadd.s32 @!p0 s3, s7;
	s7 =	simm.s32 @!p0 $0x108  }
0x21: {  	s3 =	sadd.s32 s3, s9;
	s6 =	sadd.s32 @!p0 $0x88, s6;
	s7 =	simm.s32 @p2 $0x1082  }
0x22: {  	[simem:s7], [sflag:s8] =	dma.local @!p0 [hbm:s6], $0xF7A  }
0x23: {  	s9 =	sor.u32 $0xD0000000, s2;
	s6 =	simm.s32 $0x108;
	_ =	swait.ge @!p0 [sflag:s8], $0x0  }
0x24: {  	s3 =	sadd.s32 $0x88, s3;
	s6 =	simm.s32 @!p1 $0x1082;
	[sflag:s4] =	ssyncset.s32 $0xFFFFF086  }
0x25: {  	[simem:s6], [sflag:s4] =	dma.local [hbm:s3], $0xF7A  }
0x26: {  	[smem:$0x3F92] =	sst s1;
	(tag) =	ssettag s2;
	_ =	strace s9  }
0x27: {  	s1 =	sld [smem:$0x3FA2]  }
0x28: {  	s2 =	sld [smem:$0x3FA3]  }
0x29: {  	s4 =	sld [smem:$0x3FA5]  }
0x2a: {  	p0 =	seq.s32 s5, $0x0;
	s5 =	sld [smem:$0x3FA6]  }
0x2b: {  	s6 =	sld [smem:$0x3FA7]  }
0x2c: {  	s7 =	sld [smem:$0x3FA8]  }
0x2d: {  	s3 =	simm.s32 $0x108;
	s8 =	sld [smem:$0x3FA9]  }
0x2e: {  	s3 =	simm.s32 @!p0 $0x1082;
	s9 =	sld [smem:$0x3FAA]  }
0x2f: {  	lr =	sadd.s32 s0, s3;
	s0 =	sld [smem:$0x3FA1]  }
0x30: {  	s3 =	sld [smem:$0x3FA4]  }
0x31: {  	[smem:$0x3FAD] =	sst s10  }
0x32: {  	s10 =	sld [smem:$0x3FAB];
	_ =	sdelay $0x3  }
0x33: {  	p0 =	seq.s32 s10, $0x1;
	s10 =	sld [smem:$0x3FAD];
	_ =	sdelay $0x3  }
0x34: {  	[smem:$0x3FAD] =	sst s10  }
0x35: {  	s10 =	sld [smem:$0x3FAC];
	_ =	sdelay $0x3  }
0x36: {  	p1 =	seq.s32 s10, $0x1;
	s10 =	sld [smem:$0x3FAD];
	_ =	sdelay $0x3  }
0x37: {  	[smem:$0x3FAD] =	sst s10  }
0x38: {  	s10 =	sld [smem:$0x3FAE]  }
0x39: {  	_ = 	snop;
	(pc) =	sbr.ind lr, $3  }
0x3a: {  	_ = 	snop  }
0x3b: {  	_ = 	snop  }
0x3c: {  	p2 =	seq.s32 s10, $0x1;
	s10 =	sld [smem:$0x3FAD]  }
0x3d: {  	_ =	shalt  }
0x3e: {  	_ =	shalt  }
0x3f: {  	_ =	shalt  }
0x40: {  	_ =	shalt  }
0x41: {  	_ =	shalt  }
0x42: {  	_ =	shalt  }
0x43: {  	_ =	shalt  }
0x44: {  	_ =	shalt  }
0x45: {  	_ =	shalt  }
0x46: {  	_ =	shalt  }
0x47: {  	_ =	shalt  }
0x48: {  	_ =	shalt  }
0x49: {  	_ =	shalt  }
0x4a: {  	_ =	shalt  }
0x4b: {  	_ =	shalt  }
0x4c: {  	_ =	shalt  }
0x4d: {  	_ =	shalt  }
0x4e: {  	_ =	shalt  }
0x4f: {  	_ =	shalt  }
0x50: {  	_ =	shalt  }
0x51: {  	_ =	shalt  }
0x52: {  	_ =	shalt  }
0x53: {  	_ =	shalt  }
0x54: {  	_ =	shalt  }
0x55: {  	_ =	shalt  }
0x56: {  	_ =	shalt  }
0x57: {  	_ =	shalt  }
0x58: {  	_ =	shalt  }
0x59: {  	_ =	shalt  }
0x5a: {  	_ =	shalt  }
0x5b: {  	_ =	shalt  }
0x5c: {  	_ =	shalt  }
0x5d: {  	_ =	shalt  }
0x5e: {  	_ =	shalt  }
0x5f: {  	_ =	shalt  }
0x60: {  	_ =	shalt  }
0x61: {  	_ =	shalt  }
0x62: {  	_ =	shalt  }
0x63: {  	_ =	shalt  }
0x64: {  	_ =	shalt  }
0x65: {  	_ =	shalt  }
0x66: {  	_ =	shalt  }
0x67: {  	_ =	shalt  }
0x68: {  	_ =	shalt  }
0x69: {  	_ =	shalt  }
0x6a: {  	_ =	shalt  }
0x6b: {  	_ =	shalt  }
0x6c: {  	_ =	shalt  }
0x6d: {  	_ =	shalt  }
0x6e: {  	_ =	shalt  }
0x6f: {  	_ =	shalt  }
0x70: {  	_ =	shalt  }
0x71: {  	_ =	shalt  }
0x72: {  	_ =	shalt  }
0x73: {  	_ =	shalt  }
0x74: {  	_ =	shalt  }
0x75: {  	_ =	shalt  }
0x76: {  	_ =	shalt  }
0x77: {  	_ =	shalt  }
0x78: {  	_ =	shalt  }
0x79: {  	_ =	shalt  }
0x7a: {  	_ =	shalt  }
0x7b: {  	_ =	shalt  }
0x7c: {  	_ =	shalt  }
0x7d: {  	_ =	shalt  }
0x7e: {  	_ =	shalt  }
0x7f: {  	_ =	shalt  }
0x80: {  	_ =	shalt  }
0x81: {  	_ =	shalt  }
0x82: {  	_ =	shalt  }
0x83: {  	_ =	shalt  }
0x84: {  	_ =	shalt  }
0x85: {  	_ =	shalt  }
0x86: {  	_ =	shalt  }
0x87: {  	_ =	shalt  }
.Lfunc_end0:
.L_simem_size_0:
called_computation_lowered:
.L_overlay_start_0:
0x88: {  	s2 =	sld [smem:$0x3FD9]  }
0x89: {  	s3 =	sld [smem:$0x3FFE];
	_ =	sdelay $0x1  }
0x8a: {  	s1 =	srdreg.scid  }
0x8b: {  	s0 =	sand.u32 $0x1, s1  }
0x8c: {  	s12 =	sshll.u32 s0, $0xA;
	s2 =	sadd.s32 s3, s2  }
0x8d: {  	s2 =	sadd.s32 s2, s12  }
0x8e: {  	[smem:$0x3FB9] =	sst s2  }
0x8f: {  	_ = 	snop  }
0x90: {  	s2 =	sld [smem:$0x3FC9]  }
0x91: {  	s13 =	sld [smem:$0x3FC8]  }
0x92: {  	s5 =	sld [smem:$0x3FC7]  }
0x93: {  	s6 =	sld [smem:$0x3FC6]  }
0x94: {  	s7 =	sld [smem:$0x3FC5]  }
0x95: {  	s8 =	sld [smem:$0x3FC4];
	(tm) =	ssettm $0x1  }
0x96: {  	s4 =	sld [smem:$0x3FFB];
	_ =	sdelay $0x3  }
0x97: {  	_ =	strace s4  }
0x98: {  	s4 =	sld [smem:$0x3FFC];
	_ =	sdelay $0x3  }
0x99: {  	_ =	strace s4  }
0x9a: {  	s4 =	sld [smem:$0x3FFD];
	_ =	sdelay $0x3  }
0x9b: {  	_ =	strace s4  }
0x9c: {  	_ =	strace $0x8FFFFFFF  }
0x9d: {  	s14 =	sld [smem:$0x3FDB];
	_ =	sdelay $0x1  }
0x9e: {  	s9 =	simm.s32 $_scs_section_size  }
0x9f: {  	s10 =	simm.s32 $_size__tile_task_arg_handler_lowered;
	s11 =	simm.s32 $_tile_task_arg_handler_lowered  }
0xa0: {  	s17 =	simm.s32 $0x1BFF;
	s16 =	sshll.u32 s11, $0x1;
	s9 =	sadd.s32 s9, s14  }
0xa1: {  	s15 =	sshll.u32 s10, $0x1;
	s12 =	simm.s32 $0x60;
	s10 =	sadd.s32 s16, s9  }
0xa2: {  	[timem:s12], [sflag:s17] =	dma.local [hbm:s10], s15  }
0xa3: {  	_ =	swait.ge [sflag:s17], s15  }
0xa4: {  	s18 =	simm.s32 $_tile_overlayer_lowered;
	s4 =	ssub.s32 $0x0, s15;
	[sflag:s17] =	ssyncset.done $0x0  }
0xa5: {  	s19 =	simm.s32 $_size__tile_overlayer_lowered;
	s10 =	sshll.u32 s18, $0x1;
	[sflag:s17] =	ssyncadd.s32 s4  }
0xa6: {  	s21 =	simm.s32 $0x0;
	s20 =	sshll.u32 s19, $0x1;
	s10 =	sadd.s32 s10, s9  }
0xa7: {  	[timem:s21], [sflag:s17] =	dma.local [hbm:s10], s20  }
0xa8: {  	_ =	swait.ge [sflag:s17], s20  }
0xa9: {  	s22 =	ssub.s32 $0x0, s20;
	[sflag:s17] =	ssyncset.done $0x0  }
0xaa: {  	[sflag:s17] =	ssyncadd.s32 s22;
	_ =	sdelay $0x1  }
0xab: {  	s23 =	simm.s32 $0x1B8B  }
0xac: {  	_ =	swait.ge [sflag:s23], $0x1  }
0xad: {  	[sflag:s23] =	ssyncset.done $0x0  }
0xae: {  	s25 =	simm.s32 $0x1B8E;
	s24 =	sld [smem:$0x3FFE];
	[sflag:s23] =	ssyncadd.s32 $0xFFFFFFFF  }
0xaf: {  	s26 =	simm.s32 $execute0_lowered;
	[smem:$0x3FD2] =	sst s25  }
0xb0: {  	s11 =	sshll.u32 s26, $0x1;
	_ =	strace $0x80000046;
	[dreg:$0x1] =	wrdreg $0xFFFFFFFF  }
0xb1: {  	s28 =	simm.s32 $_size_execute0_lowered;
	s9 =	sadd.s32 s9, s11;
	[dreg:$0x0] =	wrdreg $0x0  }
0xb2: {  	s11 =	sshll.u32 s28, $0x1;
	[dreg:$0x2] =	wrdreg s9  }
0xb3: {  	[dreg:$0x3] =	wrdreg s11  }
0xb4: {  	[dreg:$0x4] =	wrdreg $0xC0  }
0xb5: {  	_ =	task [dreg:s21], $0x5FFFF  }
0xb6: {  	[dreg:$0x1] =	wrdreg $0xFFFFFFFF  }
0xb7: {  	[dreg:$0x0] =	wrdreg $0x30  }
0xb8: {  	[dreg:$0x2] =	wrdreg $0x0  }
0xb9: {  	[dreg:$0x3] =	wrdreg $0x17800  }
0xba: {  	[dreg:$0x4] =	wrdreg $0x9  }
0xbb: {  	_ =	task [dreg:s21], $0x5FFFF  }
0xbc: {  	[dreg:$0x1] =	wrdreg $0xFFFFFFFF  }
0xbd: {  	[dreg:$0x0] =	wrdreg $0x60  }
0xbe: {  	[dreg:$0x2] =	wrdreg s5  }
0xbf: {  	[dreg:$0x3] =	wrdreg s6  }
0xc0: {  	[dreg:$0x4] =	wrdreg s7  }
0xc1: {  	[dreg:$0x5] =	wrdreg s8  }
0xc2: {  	[dreg:$0x6] =	wrdreg s2  }
0xc3: {  	[dreg:$0x7] =	wrdreg s13  }
0xc4: {  	[dreg:$0x8] =	wrdreg s24  }
0xc5: {  	[dreg:$0x9] =	wrdreg $0x0  }
0xc6: {  	[dreg:$0xa] =	wrdreg $0xA000  }
0xc7: {  	[dreg:$0xb] =	wrdreg $0xAD00  }
0xc8: {  	[dreg:$0xc] =	wrdreg $0xB100  }
0xc9: {  	[dreg:$0xd] =	wrdreg $0xBE00  }
0xca: {  	[dreg:$0xe] =	wrdreg $0xCB00  }
0xcb: {  	[dreg:$0xf] =	wrdreg $0xD800  }
0xcc: {  	_ =	task.clear_ibuf [dreg:s21], $0x10FFFF;
	_ =	strace $0x90000046  }
0xcd: {  	s29 =	simm.s32 $0x9;
	_ =	strace $0x80000048  }
0xce: {  	_ =	swait.ge [sflag:s29], $0x1  }
0xcf: {  	[sflag:s29] =	ssyncadd.s32 $0xFFFFFFFF  }
0xd0: {  	_ =	strace $0x90000048  }
0xd1: {  	_ =	sfence  }
0xd2: {  	s30 =	sld [smem:$0x0];
	_ =	sdelay $0x2  }
0xd3: {  	s31 =	sshll.u32 s1, $0xD;
	s1 =	sshrl.u32 s1, $0x2  }
0xd4: {  	s3 =	sand.u32 $0x4000, s31;
	s1 =	sadd.s32 s1, s30  }
0xd5: {  	s0 =	sor.u32 s3, s0;
	s1 =	sshll.u32 s1, $0x11  }
0xd6: {  	s0 =	sor.u32 s1, s0  }
0xd7: {  	s0 =	sadd.s32 $0x8F2B, s0  }
0xd8: {  	[sflag:s0] =	ssyncadd.remote.s32 $0x1  }
0xd9: {  	_ =	sfence.sel $0xFFFF  }
0xda: {  	[dreg:$0x0] =	wrdreg $0xFFFFFFFF;
	(pc) =	sbr.abs _section_cstart, $3  }
0xdb: {  	[dreg:$0x1] =	wrdreg $0xFFFFFFFF  }
0xdc: {  	_ =	task.clear_ibuf [dreg:s21], $0x2FFFF;
	_ =	strace $0x9FFFFFFF  }
0xdd: {  	(tm) =	ssettm $0x7FFFFFFF  }
tec
_tile_task_arg_handler_lowered:
.L_overlay_start_1:
0x0: {  	(tag) =	ssettag $0x1  }
0x1: {  	s0 =	rddreg [dreg:$0x0]  }
0x2: {  	s1 =	rddreg [dreg:$0x1]  }
0x3: {  	s2 =	rddreg [dreg:$0x2]  }
0x4: {  	s3 =	rddreg [dreg:$0x3]  }
0x5: {  	s4 =	rddreg [dreg:$0x4]  }
0x6: {  	s5 =	rddreg [dreg:$0x5]  }
0x7: {  	s6 =	rddreg [dreg:$0x6]  }
0x8: {  	s7 =	rddreg [dreg:$0x7]  }
0x9: {  	s8 =	rddreg [dreg:$0x8]  }
0xa: {  	s9 =	rddreg [dreg:$0x9]  }
0xb: {  	s10 =	rddreg [dreg:$0xa]  }
0xc: {  	s11 =	rddreg [dreg:$0xb]  }
0xd: {  	s12 =	rddreg [dreg:$0xc]  }
0xe: {  	s13 =	rddreg [dreg:$0xd]  }
0xf: {  	[smem:s0] =	sst s1  }
0x10: {  	[smem:s0+$0x1] =	sst s2  }
0x11: {  	[smem:s0+$0x2] =	sst s3  }
0x12: {  	[smem:s0+$0x3] =	sst s4  }
0x13: {  	[smem:s0+$0x4] =	sst s5  }
0x14: {  	[smem:s0+$0x5] =	sst s6  }
0x15: {  	[smem:s0+$0x6] =	sst s7  }
0x16: {  	[smem:s0+$0x7] =	sst s8  }
0x17: {  	[smem:s0+$0x8] =	sst s9  }
0x18: {  	[smem:s0+$0x9] =	sst s10  }
0x19: {  	[smem:s0+$0xA] =	sst s11  }
0x1a: {  	[smem:s0+$0xB] =	sst s12  }
0x1b: {  	[smem:s0+$0xC] =	sst s13;
	_ =	shalt  }
.Lfunc_end2:
execute0_lowered:
.L_overlay_start_2:
0x1c: {  	(tag) =	ssettag $0x2  }
0x1d: {  	s0 =	rddreg [dreg:$0x0]  }
0x1e: {  	s1 =	rddreg [dreg:$0x1]  }
0x1f: {  	s2 =	rddreg [dreg:$0x2]  }
0x20: {  	s3 =	rddreg [dreg:$0x3]  }
0x21: {  	s4 =	rddreg [dreg:$0x4]  }
0x22: {  	s5 =	rddreg [dreg:$0x5]  }
0x23: {  	s6 =	rddreg [dreg:$0x6]  }
0x24: {  	s13 =	rddreg [dreg:$0x7]  }
0x25: {  	s14 =	rddreg [dreg:$0x8]  }
0x26: {  	s15 =	rddreg [dreg:$0x9]  }
0x27: {  	s16 =	rddreg [dreg:$0xa]  }
0x28: {  	s18 =	rddreg [dreg:$0xb]  }
0x29: {  	s19 =	rddreg [dreg:$0xc];
	s7 =	srdreg.scid  }
0x2a: {  	s20 =	rddreg [dreg:$0xd];
	s17 =	stileid.u32;
	s8 =	simm.s32 $0x0  }
0x2b: {  	s28 =	simm.s32 $0x115C0;
	s29 =	simm.s32 $0x13DC0;
	s10 =	smul.u32 $0x620, s17  }
0x2c: {  	s7 =	sand.u32 $0x1, s7;
	p0 =	seq.s32 s17, $0xF;
	s12 =	smul.u32 $0xA0, s17  }
0x2d: {  	[smem:$0x7FF] =	sst s8;
	s9 =	sshll.u32 s7, $0x4;
	s7 =	ssub.s32 $0x2, s7  }
0x2e: {  	s9 =	sor.u32 s17, s9;
	s11 =	sshrl.u32 s7, $0x1;
	s10 =	simm.s32 @p0 $0x5B88  }
0x2f: {  	s12 =	simm.s32 @p0 $0x924;
	s7 =	ssub.s32 s7, s11;
	s26 =	sadd.s32 s0, s10  }
0x30: {  	s11 =	smul.u32 $0x1880, s9;
	s10 =	sadd.s32 s1, s10;
	[dreg:$0xe] =	wrdreg s26  }
0x31: {  	s21 =	sadd.s32 s2, s12;
	s12 =	sadd.s32 s3, s12;
	[dreg:$0xf] =	wrdreg s10  }
0x32: {  	p1 =	seq.s32 s9, $0x1F;
	[dreg:$0x11] =	wrdreg s12;
	s12 =	smul.u32 $0xA00, s17  }
0x33: {  	[dreg:$0x10] =	wrdreg s21;
	s10 =	smul.u32 $0x50, s9;
	s11 =	simm.s32 @p1 $0x2F4C0  }
0x34: {  	s21 =	sld [smem:$0x0];
	s11 =	sshrl.u32 s11, $0x3;
	s23 =	sadd.s32 s12, s13  }
0x35: {  	s10 =	simm.s32 @p1 $0x974;
	s0 =	sadd.s32 s0, s11;
	[dreg:$0x14] =	wrdreg s23  }
0x36: {  	s12 =	simm.s32 @p0 $0x9240;
	s22 =	sadd.s32 s2, s10;
	[dreg:$0x12] =	wrdreg s0  }
0x37: {  	s11 =	sadd.s32 s1, s11;
	s24 =	sadd.s32 s3, s10;
	[dreg:$0x13] =	wrdreg s22  }
0x38: {  	s25 =	sshrl.u32 s12, $0x3;
	s0 =	sshll.u32 s17, $0x6;
	s22 =	sld [smem:$0x1]  }
0x39: {  	[dreg:$0x15] =	wrdreg s24;
	s2 =	sadd.s32 s4, s25;
	s1 =	smin.u32 s0, $0x2E0  }
0x3a: {  	s30 =	simm.s32 $0x2;
	[dreg:$0x17] =	wrdreg s2;
	s26 =	sshrl.u32 s1, $0x3  }
0x3b: {  	s31 =	simm.s32 $0x3;
	s5 =	sadd.s32 s5, s26;
	[dreg:$0x16] =	wrdreg s22  }
0x3c: {  	p0 =	sne.s32 s9, $0x1F;
	s24 =	sadd.s32 $0x1A00, s6;
	[dreg:$0x18] =	wrdreg s5  }
0x3d: {  	s25 =	sadd.s32 $0x3C400, s6;
	_ =	strace $0x80000047;
	[dreg:$0x19] =	wrdreg s24  }
0x3e: {  	s23 =	smul.u32 $0xD0, s17;
	s26 =	sadd.s32 $0x3D000, s6;
	[dreg:$0x1a] =	wrdreg s25  }
0x3f: {  	p1 =	sne.s32 s17, $0xF;
	s0 =	sadd.s32 s0, s15;
	[dreg:$0x1b] =	wrdreg s26  }
0x40: {  	s10 =	sshll.u32 s9, $0x1;
	s4 =	sadd.s32 s23, s14;
	[dreg:$0x1c] =	wrdreg s0  }
0x41: {  	s9 =	smul.u32 $0xC8, s17;
	s5 =	sadd.s32 s23, s16;
	[dreg:$0x1d] =	wrdreg s4  }
0x42: {  	s17 =	simm.s32 $0xFA40;
	s3 =	sadd.s32 s23, s19;
	[dreg:$0x1e] =	wrdreg s5  }
0x43: {  	s2 =	sadd.s32 s10, s6;
	s10 =	sadd.s32 s12, s13;
	[smem:$0x7F2] =	sst s3  }
0x44: {  	s13 =	sadd.s32 s12, s20;
	s20 =	sadd.s32 s9, s19;
	[smem:$0x7F3] =	sst s10  }
0x45: {  	s12 =	simm.s32 $0x52C0;
	s15 =	sadd.s32 s1, s15;
	[smem:$0x7F4] =	sst s13  }
0x46: {  	s19 =	simm.s32 $0x280;
	s1 =	sadd.s32 s1, s21;
	[smem:$0x7F5] =	sst s15  }
0x47: {  	s22 =	sadd.s32 s9, s14;
	s14 =	simm.s32 $0x5;
	[smem:$0x7F6] =	sst s1  }
0x48: {  	s24 =	sadd.s32 $0x3C800, s6;
	s6 =	sadd.s32 s23, s18;
	[smem:$0x7F8] =	sst s20  }
0x49: {  	s18 =	sadd.s32 s9, s18;
	[smem:$0x7F9] =	sst s22;
	s0 =	sadd.s32 s9, s16  }
0x4a: {  	s23 =	sadd.s32 $0x3D200, s2;
	s25 =	smax.u32 s7, $0x1;
	s9 =	smov.u32 s11  }
0x4b: {  	s26 =	sadd.s32 $0x188, s11;
	s11 =	simm.s32 $0x21C0;
	s13 =	simm.s32 $0x17C0  }
0x4c: {  	s7 =	simm.s32 $0x57C0;
	s22 =	simm.s32 $0x88C0;
	[dreg:$0x1f] =	wrdreg s6  }
0x4d: {  	s15 =	simm.s32 $0x3100;
	s4 =	simm.s32 $0x500;
	[smem:$0x7F7] =	sst s18  }
0x4e: {  	s16 =	simm.s32 $0x4;
	s1 =	simm.s32 $0x106C0;
	[smem:$0x7FA] =	sst s0  }
0x4f: {  	v0 =	vlaneseq.u32;
	s2 =	simm.s32 $0x11340;
	s20 =	simm.s32 $0x6;
	[smem:$0x7FB] =	sst s23  }
0x50: {  	v3 =	vmul.u32 $0xFFFFFFFF, v0;
	s3 =	simm.s32 $0x0;
	s10 =	simm.s32 $0x13E40;
	[smem:$0x7FC] =	sst s25  }
0x51: {  	v1 =	vimm.s32 $0xCFF;
	[smem:$0x7FD] =	sst s26;
	s23 =	simm.s32 $0xB9C0;
	s25 =	simm.s32 $0xBEC0  }
0x52: {  	v2 =	vimm.s32 $0x3FF;
	v0 =	vimm.s32 $0x9FFF;
	v3 =	vadd.s32 $0xC8, v3;
	s26 =	simm.s32 $0xC3C0;
	s18 =	simm.s32 $0x1;
	s0 =	simm.s32 $0xC40  }
.LBB3_1:
0x53: {  	[tilespmem:s11], [sflag:$0x1] =	stream.linear.gather [hbm4b:s24+s8], $0x3100, $0x38;
	[tilespmem:$0x14440] =	vst v63  }
0x54: {  	_ = 	snop  }
0x55: {  	[tilespmem:s12], [sflag:$0x1] =	stream.linear.gather [hbm4b:s24+s8], $0x500, $0x38;
	[tilespmem:$0x14440] =	vst v63  }
0x56: {  	s5 =	rddreg [dreg:$0x1b]  }
0x57: {  	[tilespmem:s13], [sflag:$0x2] =	stream.linear.gather [hbm4b:s5+s8], $0xA00, $0x38;
	[tilespmem:$0x14440] =	vst v63  }
0x58: {  	s6 =	rddreg [dreg:$0xe]  }
0x59: {  	[tilespmem:s7], [sflag:$0x3] =	stream.linear.gather [hbm4b:s6+s8], $0x3100, $0x38;
	[tilespmem:$0x14440] =	vst v63  }
0x5a: {  	s6 =	rddreg [dreg:$0xf]  }
0x5b: {  	[tilespmem:s22], [sflag:$0x3] =	stream.linear.gather [hbm4b:s6+s8], $0x3100, $0x38;
	[tilespmem:$0x14440] =	vst v63  }
0x5c: {  	s6 =	rddreg [dreg:$0x10]  }
0x5d: {  	[tilespmem:s23], [sflag:$0x3] =	stream.linear.gather [hbm4b:s6+s8], $0x500, $0x38;
	[tilespmem:$0x14440] =	vst v63  }
0x5e: {  	s6 =	rddreg [dreg:$0x11]  }
0x5f: {  	[tilespmem:s25], [sflag:$0x3] =	stream.linear.gather [hbm4b:s6+s8], $0x500, $0x38;
	[tilespmem:$0x14440] =	vst v63  }
0x60: {  	s6 =	rddreg [dreg:$0x12]  }
0x61: {  	[tilespmem:s26], [sflag:$0x4] =	stream.linear.gather [hbm4b:s6+s8], $0x1880, $0x38;
	[tilespmem:$0x14440] =	vst v63  }
0x62: {  	s6 =	simm.s32 $0xDC40  }
0x63: {  	[tilespmem:s6], [sflag:$0x4] =	stream.linear.gather [hbm4b:s9+s8], $0xC40, $0x38;
	[tilespmem:$0x14440] =	vst v63  }
0x64: {  	s6 =	sld [smem:$0x7FD];
	_ =	sdelay $0x1  }
0x65: {  	s5 =	simm.s32 $0xE8C0  }
0x66: {  	[tilespmem:s5], [sflag:$0x4] =	stream.linear.gather [hbm4b:s6+s8], $0xC40, $0x38;
	[tilespmem:$0x14440] =	vst v63  }
0x67: {  	s5 =	rddreg [dreg:$0x13];
	s6 =	simm.s32 $0xF540  }
0x68: {  	[tilespmem:s6], [sflag:$0x4] =	stream.linear.gather [hbm4b:s5+s8], $0x280, $0x38;
	[tilespmem:$0x14440] =	vst v63  }
0x69: {  	s5 =	rddreg [dreg:$0x15];
	s6 =	simm.s32 $0xF7C0  }
0x6a: {  	[tilespmem:s6], [sflag:$0x4] =	stream.linear.gather [hbm4b:s5+s8], $0x280, $0x38;
	[tilespmem:$0x14440] =	vst v63  }
0x6b: {  	s6 =	rddreg [dreg:$0x17]  }
0x6c: {  	[tilespmem:s28], [sflag:$0x5] =	stream.linear.gather [hbm4b:s6+s8], $0xA00, $0x38;
	[tilespmem:$0x14440] =	vst v63  }
0x6d: {  	s28 =	rddreg [dreg:$0x18]  }
0x6e: {  	[tilespmem:s29], [sflag:$0x5] =	stream.linear.gather [hbm4b:s28+s8], $0x40, $0x38;
	[tilespmem:$0x14440] =	vst v63  }
0x6f: {  	_ =	swait.ge [sflag:s30], $0xA00  }
0x70: {  	[sflag:s30] =	ssyncset.done $0x0;
	s6 =	rddreg [dreg:$0x14]  }
0x71: {  	s28 =	rddreg [dreg:$0x1d];
	[sflag:s30] =	ssyncadd.s32 $0xFFFFF600  }
0x72: {  	[spmem:s6] =	stream.linear.scatter [tilespmem:s13], [sflag:$0x2], $0xA00, $0x38;
	[tilespmem:$0x14440] =	vst v63  }
0x73: {  	s29 =	rddreg [dreg:$0x1c]  }
0x74: {  	[spmem:s28] =	stream.linear.scatter [tilespmem:s13], [sflag:$0x2], $0xD0, $0x38;
	[tilespmem:$0x14440] =	vst v63  }
0x75: {  	s6 =	rddreg [dreg:$0x1e]  }
0x76: {  	[spmem:s29] =	stream.linear.scatter [tilespmem:s13], [sflag:$0x2], $0x40, $0x38;
	[tilespmem:$0x14440] =	vst v63  }
0x77: {  	s28 =	rddreg [dreg:$0x1f]  }
0x78: {  	[spmem:s6] =	stream.linear.scatter [tilespmem:s13], [sflag:$0x2], $0xD0, $0x38;
	[tilespmem:$0x14440] =	vst v63  }
0x79: {  	s29 =	sld [smem:$0x7F2]  }
0x7a: {  	[spmem:s28] =	stream.linear.scatter [tilespmem:s13], [sflag:$0x2], $0xD0, $0x38;
	[tilespmem:$0x14440] =	vst v63  }
0x7b: {  	_ = 	snop  }
0x7c: {  	[spmem:s29] =	stream.linear.scatter [tilespmem:s13], [sflag:$0x2], $0xD0, $0x38;
	[tilespmem:$0x14440] =	vst v63  }
0x7d: {  	_ =	swait.ge [sflag:s30], $0xA00  }
0x7e: {  	[sflag:s30] =	ssyncset.done $0x0  }
0x7f: {  	[sflag:s30] =	ssyncadd.s32 $0xFFFFF600  }
0x80: {  	_ =	swait.ge [sflag:s30], $0xD0  }
0x81: {  	[sflag:s30] =	ssyncset.done $0x0  }
0x82: {  	[sflag:s30] =	ssyncadd.s32 $0xFFFFFF30  }
0x83: {  	_ =	swait.ge [sflag:s30], $0x40  }
0x84: {  	[sflag:s30] =	ssyncset.done $0x0  }
0x85: {  	[sflag:s30] =	ssyncadd.s32 $0xFFFFFFC0  }
0x86: {  	_ =	swait.ge [sflag:s30], $0xD0  }
0x87: {  	[sflag:s30] =	ssyncset.done $0x0  }
0x88: {  	[sflag:s30] =	ssyncadd.s32 $0xFFFFFF30  }
0x89: {  	_ =	swait.ge [sflag:s30], $0xD0  }
0x8a: {  	[sflag:s30] =	ssyncset.done $0x0  }
0x8b: {  	[sflag:s30] =	ssyncadd.s32 $0xFFFFFF30  }
0x8c: {  	_ =	swait.ge [sflag:s30], $0xD0  }
0x8d: {  	[sflag:s30] =	ssyncset.done $0x0  }
0x8e: {  	[sflag:s30] =	ssyncadd.s32 $0xFFFFFF30  }
0x8f: {  	_ =	swait.ge [sflag:s14], $0xA00  }
0x90: {  	[sflag:s14] =	ssyncset.done $0x0  }
0x91: {  	[sflag:s14] =	ssyncadd.s32 $0xFFFFF600  }
0x92: {  	_ =	swait.ge [sflag:s14], $0x40  }
0x93: {  	[sflag:s14] =	ssyncset.done $0x0  }
0x94: {  	s5 =	simm.s32 $0x0;
	s6 =	simm.s32 $0x40;
	[sflag:s14] =	ssyncadd.s32 $0xFFFFFFC0  }
.LBB3_2:
0x95: {  	p2 =	sne.s32 s6, $0x27C0;
	v4 =	vld [tilespmem:s5+$0x115C0];
	_ =	sdelay $0x1  }
.Ltmp0:
0x96: {  	(pc) =	sbr.rel @p2 .LBB3_2-.Ltmp0, $3  }
0x97: {  	_ =	sdelay $0x1  }
0x98: {  	v4 =	vshll.u32 v4, $0x7  }
0x99: {  	[tilespmem:s5+$0x115C0] =	vst v4;
	s5 =	sshra.s32 s6, $0x2;
	s6 =	sadd.s32 $0x40, s6  }
0x9a: {  	v4 =	vld [tilespmem:s5+$0x115C0];
	_ =	sdelay $0x4  }
0x9b: {  	v4 =	vshll.u32 v4, $0x7  }
0x9c: {  	[tilespmem:s5+$0x115C0] =	vst v4  }
0x9d: {  	v4 =	vld [tilespmem:$0x13DC0]  }
0x9e: {  	v5 =	vld [tilespmem:$0x13DD0]  }
0x9f: {  	v6 =	vld [tilespmem:$0x13DE0]  }
0xa0: {  	v7 =	vld [tilespmem:$0x13DF0];
	_ =	sdelay $0x1  }
0xa1: {  	v4 =	vshll.u32 v4, $0x7  }
0xa2: {  	[tilespmem:$0x13DC0] =	vst v4;
	v4 =	vshll.u32 v5, $0x7  }
0xa3: {  	[tilespmem:$0x13DD0] =	vst v4;
	v4 =	vshll.u32 v6, $0x7  }
0xa4: {  	s6 =	simm.s32 $0xA00;
	[tilespmem:$0x13DE0] =	vst v4;
	v4 =	vshll.u32 v7, $0x7  }
0xa5: {  	s28 =	simm.s32 $0x11FC0;
	s29 =	simm.s32 $0x115C0;
	s5 =	rddreg [dreg:$0x19];
	[tilespmem:$0x13DF0] =	vst v4  }
0xa6: {  	[tilespmem:s28], [sflag:$0x5] =	stream.indirect.gather [hbm4b:s5+s6], $0x1, s29, s6, $0xb8;
	[tilespmem:$0x14440] =	vst v63  }
0xa7: {  	s5 =	rddreg [dreg:$0x1a];
	s29 =	simm.s32 $0x13DC0;
	s6 =	simm.s32 $0x40  }
0xa8: {  	[tilespmem:s10], [sflag:$0x5] =	stream.indirect.gather [hbm4b:s5+s6], $0x1, s29, s6, $0xb8;
	[tilespmem:$0x14440] =	vst v63  }
0xa9: {  	[bflag:$0x0] =	sbarrier.arrive $0xFFFF  }
0xaa: {  	_ =	swait.ge [sflag:s31], $0x3100  }
0xab: {  	[sflag:s31] =	ssyncset.done $0x0  }
0xac: {  	[sflag:s31] =	ssyncadd.s32 $0xFFFFCF00  }
0xad: {  	_ =	swait.ge [sflag:s31], $0x3100  }
0xae: {  	[sflag:s31] =	ssyncset.done $0x0  }
0xaf: {  	[sflag:s31] =	ssyncadd.s32 $0xFFFFCF00  }
0xb0: {  	_ =	swait.ge [sflag:s31], $0x500  }
0xb1: {  	[sflag:s31] =	ssyncset.done $0x0  }
0xb2: {  	[sflag:s31] =	ssyncadd.s32 $0xFFFFFB00  }
0xb3: {  	_ =	swait.ge [sflag:s31], $0x500  }
0xb4: {  	[sflag:s31] =	ssyncset.done $0x0  }
0xb5: {  	[sflag:s31] =	ssyncadd.s32 $0xFFFFFB00  }
0xb6: {  	_ =	swait.ge [sflag:s18], $0x3100  }
.Ltmp1:
0xb7: {  	[sflag:s18] =	ssyncset.done $0x0;
	(pc) =	sbr.rel @p1 .LBB3_5-.Ltmp1, $4  }
0xb8: {  	[sflag:s18] =	ssyncadd.s32 $0xFFFFCF00  }
0xb9: {  	_ =	swait.ge [sflag:s18], $0x500  }
0xba: {  	[sflag:s18] =	ssyncset.done $0x0  }
0xbb: {  	s28 =	simm.s32 $0x115C0;
	[sflag:s18] =	ssyncadd.s32 $0xFFFFFB00  }
0xbc: {  	[tilespmem:$0x57C0] =	vst v0  }
0xbd: {  	[tilespmem:$0x57D0] =	vst v0  }
0xbe: {  	[tilespmem:$0x57E0] =	vst v0  }
0xbf: {  	[tilespmem:$0x57F0] =	vst v0  }
0xc0: {  	[tilespmem:$0x5800] =	vst v0  }
0xc1: {  	[tilespmem:$0x5810] =	vst v0  }
0xc2: {  	[tilespmem:$0x5820] =	vst v0  }
0xc3: {  	[tilespmem:$0x5830] =	vst v0  }
0xc4: {  	[tilespmem:$0x5840] =	vst v0  }
0xc5: {  	[tilespmem:$0x5850] =	vst v0  }
0xc6: {  	[tilespmem:$0x5860] =	vst v0  }
0xc7: {  	[tilespmem:$0x5870] =	vst v0  }
0xc8: {  	[tilespmem:$0x5880] =	vst v0  }
0xc9: {  	[tilespmem:$0x5890] =	vst v0  }
0xca: {  	[tilespmem:$0x58A0] =	vst v0  }
0xcb: {  	[tilespmem:$0x58B0] =	vst v0  }
0xcc: {  	[tilespmem:$0x58C0] =	vst v0  }
0xcd: {  	[tilespmem:$0x58D0] =	vst v0  }
0xce: {  	[tilespmem:$0x58E0] =	vst v0  }
0xcf: {  	[tilespmem:$0x58F0] =	vst v0  }
0xd0: {  	[tilespmem:$0x5900] =	vst v0  }
0xd1: {  	[tilespmem:$0x5910] =	vst v0  }
0xd2: {  	[tilespmem:$0x5920] =	vst v0  }
0xd3: {  	[tilespmem:$0x5930] =	vst v0  }
0xd4: {  	[tilespmem:$0x5940] =	vst v0  }
0xd5: {  	[tilespmem:$0x5950] =	vst v0  }
0xd6: {  	[tilespmem:$0x5960] =	vst v0  }
0xd7: {  	[tilespmem:$0x5970] =	vst v0  }
0xd8: {  	[tilespmem:$0x5980] =	vst v0  }
0xd9: {  	[tilespmem:$0x5990] =	vst v0  }
0xda: {  	[tilespmem:$0x59A0] =	vst v0  }
0xdb: {  	[tilespmem:$0x59B0] =	vst v0  }
0xdc: {  	[tilespmem:$0x59C0] =	vst v0  }
0xdd: {  	[tilespmem:$0x59D0] =	vst v0  }
0xde: {  	[tilespmem:$0x59E0] =	vst v0  }
0xdf: {  	[tilespmem:$0x59F0] =	vst v0  }
0xe0: {  	[tilespmem:$0x5A00] =	vst v0  }
0xe1: {  	[tilespmem:$0x5A10] =	vst v0  }
0xe2: {  	[tilespmem:$0x5A20] =	vst v0  }
0xe3: {  	[tilespmem:$0x5A30] =	vst v0  }
0xe4: {  	[tilespmem:$0x5A40] =	vst v0  }
0xe5: {  	[tilespmem:$0x5A50] =	vst v0  }
0xe6: {  	[tilespmem:$0x5A60] =	vst v0  }
0xe7: {  	[tilespmem:$0x5A70] =	vst v0  }
0xe8: {  	[tilespmem:$0x88C0] =	vst v1  }
0xe9: {  	[tilespmem:$0x88D0] =	vst v1  }
0xea: {  	[tilespmem:$0x88E0] =	vst v1  }
0xeb: {  	[tilespmem:$0x88F0] =	vst v1  }
0xec: {  	[tilespmem:$0x8900] =	vst v1  }
0xed: {  	[tilespmem:$0x8910] =	vst v1  }
0xee: {  	[tilespmem:$0x8920] =	vst v1  }
0xef: {  	[tilespmem:$0x8930] =	vst v1  }
0xf0: {  	[tilespmem:$0x8940] =	vst v1  }
0xf1: {  	[tilespmem:$0x8950] =	vst v1  }
0xf2: {  	[tilespmem:$0x8960] =	vst v1  }
0xf3: {  	[tilespmem:$0x8970] =	vst v1  }
0xf4: {  	[tilespmem:$0x8980] =	vst v1  }
0xf5: {  	[tilespmem:$0x8990] =	vst v1  }
0xf6: {  	[tilespmem:$0x89A0] =	vst v1  }
0xf7: {  	[tilespmem:$0x89B0] =	vst v1  }
0xf8: {  	[tilespmem:$0x89C0] =	vst v1  }
0xf9: {  	[tilespmem:$0x89D0] =	vst v1  }
0xfa: {  	[tilespmem:$0x89E0] =	vst v1  }
0xfb: {  	[tilespmem:$0x89F0] =	vst v1  }
0xfc: {  	[tilespmem:$0x8A00] =	vst v1  }
0xfd: {  	[tilespmem:$0x8A10] =	vst v1  }
0xfe: {  	[tilespmem:$0x8A20] =	vst v1  }
0xff: {  	[tilespmem:$0x8A30] =	vst v1  }
0x100: {  	[tilespmem:$0x8A40] =	vst v1  }
0x101: {  	[tilespmem:$0x8A50] =	vst v1  }
0x102: {  	[tilespmem:$0x8A60] =	vst v1  }
0x103: {  	[tilespmem:$0x8A70] =	vst v1  }
0x104: {  	[tilespmem:$0x8A80] =	vst v1  }
0x105: {  	[tilespmem:$0x8A90] =	vst v1  }
0x106: {  	[tilespmem:$0x8AA0] =	vst v1  }
0x107: {  	[tilespmem:$0x8AB0] =	vst v1  }
0x108: {  	[tilespmem:$0x8AC0] =	vst v1  }
0x109: {  	[tilespmem:$0x8AD0] =	vst v1  }
0x10a: {  	[tilespmem:$0x8AE0] =	vst v1  }
0x10b: {  	[tilespmem:$0x8AF0] =	vst v1  }
0x10c: {  	[tilespmem:$0x8B00] =	vst v1  }
0x10d: {  	[tilespmem:$0x8B10] =	vst v1  }
0x10e: {  	[tilespmem:$0x8B20] =	vst v1  }
0x10f: {  	[tilespmem:$0x8B30] =	vst v1  }
0x110: {  	[tilespmem:$0x8B40] =	vst v1  }
0x111: {  	[tilespmem:$0x8B50] =	vst v1  }
0x112: {  	[tilespmem:$0x8B60] =	vst v1  }
0x113: {  	[tilespmem:$0x8B70] =	vst v1  }
0x114: {  	[tilespmem:$0xB9C0] =	vst v2  }
0x115: {  	[tilespmem:$0xB9D0] =	vst v2  }
0x116: {  	[tilespmem:$0xB9E0] =	vst v2  }
0x117: {  	[tilespmem:$0xB9F0] =	vst v2  }
0x118: {  	[tilespmem:$0xBA00] =	vst v2  }
0x119: {  	[tilespmem:$0xBA10] =	vst v2  }
0x11a: {  	[tilespmem:$0xBA20] =	vst v2  }
0x11b: {  	[tilespmem:$0xBA30] =	vst v2  }
0x11c: {  	[tilespmem:$0xBA40] =	vst v2  }
0x11d: {  	[tilespmem:$0xBA50] =	vst v2  }
0x11e: {  	[tilespmem:$0xBA60] =	vst v2  }
0x11f: {  	[tilespmem:$0xBA70] =	vst v2  }
0x120: {  	[tilespmem:$0xBA80] =	vst v2  }
0x121: {  	[tilespmem:$0xBA90] =	vst v2  }
0x122: {  	[tilespmem:$0xBAA0] =	vst v2  }
0x123: {  	[tilespmem:$0xBAB0] =	vst v2  }
0x124: {  	[tilespmem:$0xBAC0] =	vst v2  }
0x125: {  	[tilespmem:$0xBAD0] =	vst v2  }
0x126: {  	[tilespmem:$0xBAE0] =	vst v2  }
0x127: {  	[tilespmem:$0xBAF0] =	vst v2  }
0x128: {  	[tilespmem:$0xBB00] =	vst v2  }
0x129: {  	[tilespmem:$0xBB10] =	vst v2  }
0x12a: {  	[tilespmem:$0xBB20] =	vst v2  }
0x12b: {  	[tilespmem:$0xBB30] =	vst v2  }
0x12c: {  	[tilespmem:$0xBB40] =	vst v2  }
0x12d: {  	[tilespmem:$0xBB50] =	vst v2  }
0x12e: {  	[tilespmem:$0xBB60] =	vst v2  }
0x12f: {  	[tilespmem:$0xBB70] =	vst v2  }
0x130: {  	[tilespmem:$0xBB80] =	vst v2  }
0x131: {  	[tilespmem:$0xBB90] =	vst v2  }
0x132: {  	[tilespmem:$0xBEC0] =	vst v1  }
0x133: {  	[tilespmem:$0xBED0] =	vst v1  }
0x134: {  	[tilespmem:$0xBEE0] =	vst v1  }
0x135: {  	[tilespmem:$0xBEF0] =	vst v1  }
0x136: {  	[tilespmem:$0xBF00] =	vst v1  }
0x137: {  	[tilespmem:$0xBF10] =	vst v1  }
0x138: {  	[tilespmem:$0xBF20] =	vst v1  }
0x139: {  	[tilespmem:$0xBF30] =	vst v1  }
0x13a: {  	[tilespmem:$0xBF40] =	vst v1  }
0x13b: {  	[tilespmem:$0xBF50] =	vst v1  }
0x13c: {  	[tilespmem:$0xBF60] =	vst v1  }
0x13d: {  	[tilespmem:$0xBF70] =	vst v1  }
0x13e: {  	[tilespmem:$0xBF80] =	vst v1  }
0x13f: {  	[tilespmem:$0xBF90] =	vst v1  }
0x140: {  	[tilespmem:$0xBFA0] =	vst v1  }
0x141: {  	[tilespmem:$0xBFB0] =	vst v1  }
0x142: {  	[tilespmem:$0xBFC0] =	vst v1  }
0x143: {  	[tilespmem:$0xBFD0] =	vst v1  }
0x144: {  	[tilespmem:$0xBFE0] =	vst v1  }
0x145: {  	[tilespmem:$0xBFF0] =	vst v1  }
0x146: {  	[tilespmem:$0xC000] =	vst v1  }
0x147: {  	[tilespmem:$0xC010] =	vst v1  }
0x148: {  	[tilespmem:$0xC020] =	vst v1  }
0x149: {  	[tilespmem:$0xC030] =	vst v1  }
0x14a: {  	[tilespmem:$0xC040] =	vst v1  }
0x14b: {  	[tilespmem:$0xC050] =	vst v1  }
0x14c: {  	[tilespmem:$0xC060] =	vst v1  }
0x14d: {  	[tilespmem:$0xC070] =	vst v1  }
0x14e: {  	[tilespmem:$0xC080] =	vst v1  }
0x14f: {  	[tilespmem:$0xC090] =	vst v1  }
.LBB3_5:
0x150: {  	s5 =	rddreg [dreg:$0x7]  }
0x151: {  	[spmem:s5] =	stream.indirect.scatter.add.f32 [tilespmem:s11], [sflag:$0x3], $0x1, s7, s15, $0xb8;
	[tilespmem:$0x14440] =	vst v63  }
0x152: {  	s7 =	rddreg [dreg:$0x9]  }
0x153: {  	[spmem:s7] =	stream.indirect.scatter.add.f32 [tilespmem:s12], [sflag:$0x3], $0x1, s23, s4, $0xb8;
	[tilespmem:$0x14440] =	vst v63  }
0x154: {  	_ =	swait.ge [sflag:s31], $0x3100  }
0x155: {  	[sflag:s31] =	ssyncset.done $0x0  }
0x156: {  	[sflag:s31] =	ssyncadd.s32 $0xFFFFCF00  }
0x157: {  	_ =	swait.ge [sflag:s31], $0x500  }
0x158: {  	[sflag:s31] =	ssyncset.done $0x0  }
0x159: {  	[sflag:s31] =	ssyncadd.s32 $0xFFFFFB00  }
0x15a: {  	[bflag:$0x0] =	sbarrier.arrive $0xFFFF  }
0x15b: {  	s6 =	rddreg [dreg:$0x8]  }
0x15c: {  	s7 =	rddreg [dreg:$0xa]  }
0x15d: {  	[spmem:s6] =	stream.indirect.scatter.add.f32 [tilespmem:s11], [sflag:$0x3], $0x1, s22, s15, $0xb8;
	[tilespmem:$0x14440] =	vst v63  }
0x15e: {  	s22 =	sld [smem:$0x7F3]  }
0x15f: {  	[spmem:s7] =	stream.indirect.scatter.add.f32 [tilespmem:s12], [sflag:$0x3], $0x1, s25, s4, $0xb8;
	[tilespmem:$0x14440] =	vst v63  }
0x160: {  	s23 =	sld [smem:$0x7F5];
	s6 =	simm.s32 $0x129C0  }
0x161: {  	[tilespmem:s6], [sflag:$0x2] =	stream.linear.gather [spmem:s22], $0xA00, $0x38;
	[tilespmem:$0x14440] =	vst v63  }
0x162: {  	s25 =	simm.s32 $0x13EC0  }
0x163: {  	[tilespmem:s25], [sflag:$0x2] =	stream.linear.gather [spmem:s23], $0x40, $0x38;
	[tilespmem:$0x14440] =	vst v63  }
0x164: {  	_ =	swait.ge [sflag:s14], $0xA00  }
0x165: {  	[sflag:s14] =	ssyncset.done $0x0  }
0x166: {  	[sflag:s14] =	ssyncadd.s32 $0xFFFFF600  }
0x167: {  	_ =	swait.ge [sflag:s14], $0x40  }
0x168: {  	[sflag:s14] =	ssyncset.done $0x0  }
0x169: {  	[sflag:s14] =	ssyncadd.s32 $0xFFFFFFC0  }
0x16a: {  	_ =	swait.ge [sflag:s30], $0xA00  }
0x16b: {  	[sflag:s30] =	ssyncset.done $0x0  }
0x16c: {  	[sflag:s30] =	ssyncadd.s32 $0xFFFFF600  }
0x16d: {  	_ =	swait.ge [sflag:s30], $0x40  }
0x16e: {  	[sflag:s30] =	ssyncset.done $0x0  }
0x16f: {  	s22 =	simm.s32 $0x0;
	[sflag:s30] =	ssyncadd.s32 $0xFFFFFFC0  }
0x170: {  	v4 =	vld [tilespmem:s22+$0x129C0];
	_ =	sdelay $0x4  }
0x171: {  	s7 =	simm.s32 $0x10;
	v4 =	vmax.f32 v4, $1.000000000e+00  }
0x172: {  	v5 =	vld [tilespmem:s7+$0x129C0];
	v6 =	vshra.s32 v4, $0x1;
	v7 =	vmul.f32 $5.000000000e-01, v4  }
0x173: {  	v4 =	vsub.s32 $0x5F3759DF, v6  }
0x174: {  	v6 =	vmul.f32 v4, v7;
	_ =	sdelay $0x1  }
0x175: {  	s6 =	simm.s32 $0x20;
	v6 =	vmul.f32 v4, v6  }
0x176: {  	v8 =	vld [tilespmem:s6+$0x129C0];
	v5 =	vmax.f32 v5, $1.000000000e+00  }
0x177: {  	v9 =	vshra.s32 v5, $0x1;
	v5 =	vmul.f32 $5.000000000e-01, v5;
	v6 =	vsub.f32 $1.500000000e+00, v6  }
0x178: {  	v9 =	vsub.s32 $0x5F3759DF, v9  }
0x179: {  	v10 =	vmul.f32 v9, v5;
	v4 =	vmul.f32 v4, v6  }
0x17a: {  	s23 =	simm.s32 $0x30  }
0x17b: {  	v6 =	vmax.f32 v8, $1.000000000e+00;
	v8 =	vmul.f32 v9, v10;
	v10 =	vld [tilespmem:s23+$0x129C0];
	v7 =	vmul.f32 v4, v7  }
0x17c: {  	v11 =	vshra.s32 v6, $0x1;
	v6 =	vmul.f32 $5.000000000e-01, v6  }
0x17d: {  	v13 =	vsub.f32 $1.500000000e+00, v8;
	v14 =	vmul.f32 v7, v4;
	v7 =	vsub.s32 $0x5F3759DF, v11  }
0x17e: {  	v8 =	vld [tilespmem:s22+$0x11FC0];
	v12 =	vmul.f32 v7, v6  }
0x17f: {  	s5 =	simm.s32 $0x100;
	v9 =	vmul.f32 v9, v13;
	v11 =	vsub.f32 $1.500000000e+00, v14  }
.LBB3_6:
0x180: {  	v13 =	vmax.f32 v10, $1.000000000e+00;
	v12 =	vmul.f32 v7, v12;
	s25 =	smov.u32 s23;
	s23 =	sshra.s32 s5, $0x2;
	p2 =	sne.s32 s5, $0x27C0  }
.Ltmp2:
0x181: {  	v10 =	vld [tilespmem:s23+$0x129C0];
	v14 =	vshra.s32 v13, $0x1;
	v15 =	vmul.f32 v9, v5;
	v11 =	vmul.f32 v11, v4;
	v5 =	vmovc v6;
	v4 =	vmovc v9;
	(pc) =	sbr.rel @p2 .LBB3_6-.Ltmp2, $4  }
0x182: {  	s5 =	sadd.s32 $0x40, s5;
	v6 =	vmul.f32 $5.000000000e-01, v13;
	v14 =	vsub.s32 $0x5F3759DF, v14  }
0x183: {  	v9 =	vsub.f32 $1.500000000e+00, v12;
	v13 =	vmul.f32 v15, v4;
	v15 =	vmul.f32 v11, v8  }
0x184: {  	v12 =	vmul.f32 v14, v6;
	v8 =	vld [tilespmem:s7+$0x11FC0]  }
0x185: {  	v9 =	vmul.f32 v7, v9;
	v7 =	vmov v14;
	v11 =	vsub.f32 $1.500000000e+00, v13;
	[tilespmem:s22+$0x133C0] =	vst v15;
	s22 =	smov.u32 s7;
	s7 =	smov.u32 s6;
	s6 =	smov.u32 s25  }
0x186: {  	v10 =	vmax.f32 v10, $1.000000000e+00  }
0x187: {  	v13 =	vshra.s32 v10, $0x1;
	v10 =	vmul.f32 $5.000000000e-01, v10  }
0x188: {  	v13 =	vsub.s32 $0x5F3759DF, v13  }
0x189: {  	v5 =	vmul.f32 v9, v5;
	v14 =	vmul.f32 v13, v10  }
0x18a: {  	v12 =	vmul.f32 v7, v12  }
0x18b: {  	v5 =	vmul.f32 v5, v9;
	v14 =	vmul.f32 v13, v14  }
0x18c: {  	v44 =	vld [tilespmem:s7+$0x11FC0];
	v4 =	vmul.f32 v11, v4;
	v43 =	vsub.f32 $1.500000000e+00, v12  }
0x18d: {  	v5 =	vsub.f32 $1.500000000e+00, v5;
	v14 =	vsub.f32 $1.500000000e+00, v14  }
0x18e: {  	v4 =	vmul.f32 v4, v8;
	v45 =	vmul.f32 v7, v43  }
0x18f: {  	v5 =	vmul.f32 v5, v9;
	v46 =	vmul.f32 v13, v14  }
0x190: {  	v6 =	vmul.f32 v45, v6  }
0x191: {  	[tilespmem:s22+$0x133C0] =	vst v4;
	v4 =	vmul.f32 v5, v44;
	v5 =	vmul.f32 v46, v10  }
0x192: {  	v6 =	vmul.f32 v6, v45  }
0x193: {  	v47 =	vld [tilespmem:s6+$0x11FC0];
	[tilespmem:s7+$0x133C0] =	vst v4;
	v4 =	vmul.f32 v5, v46  }
0x194: {  	v48 =	vld [tilespmem:s23+$0x11FC0];
	v5 =	vsub.f32 $1.500000000e+00, v6  }
0x195: {  	v4 =	vsub.f32 $1.500000000e+00, v4  }
0x196: {  	v5 =	vmul.f32 v5, v45  }
0x197: {  	v4 =	vmul.f32 v4, v46  }
0x198: {  	v5 =	vmul.f32 v5, v47  }
0x199: {  	v4 =	vmul.f32 v4, v48  }
0x19a: {  	[tilespmem:s6+$0x133C0] =	vst v5  }
0x19b: {  	[tilespmem:s23+$0x133C0] =	vst v4  }
0x19c: {  	v4 =	vld [tilespmem:$0x13EC0]  }
0x19d: {  	v5 =	vld [tilespmem:$0x13ED0]  }
0x19e: {  	v49 =	vld [tilespmem:$0x13EE0]  }
0x19f: {  	v50 =	vld [tilespmem:$0x13EF0];
	_ =	sdelay $0x3  }
0x1a0: {  	v4 =	vmax.f32 v4, $1.000000000e+00;
	v5 =	vmax.f32 v5, $1.000000000e+00  }
0x1a1: {  	v6 =	vmax.f32 v49, $1.000000000e+00;
	v7 =	vmax.f32 v50, $1.000000000e+00;
	v51 =	vshra.s32 v4, $0x1  }
0x1a2: {  	v4 =	vmul.f32 $5.000000000e-01, v4;
	v52 =	vshra.s32 v5, $0x1;
	v5 =	vmul.f32 $5.000000000e-01, v5  }
0x1a3: {  	v55 =	vshra.s32 v6, $0x1;
	v6 =	vmul.f32 $5.000000000e-01, v6;
	v8 =	vsub.s32 $0x5F3759DF, v51  }
0x1a4: {  	v56 =	vshra.s32 v7, $0x1;
	v9 =	vsub.s32 $0x5F3759DF, v52;
	v53 =	vmul.f32 v8, v4  }
0x1a5: {  	v7 =	vmul.f32 $5.000000000e-01, v7;
	v12 =	vsub.s32 $0x5F3759DF, v55;
	v54 =	vmul.f32 v9, v5  }
0x1a6: {  	v13 =	vsub.s32 $0x5F3759DF, v56;
	v57 =	vmul.f32 v12, v6;
	v10 =	vmul.f32 v8, v53  }
0x1a7: {  	v15 =	vmul.f32 v13, v7;
	v11 =	vmul.f32 v9, v54  }
0x1a8: {  	v14 =	vmul.f32 v12, v57;
	v10 =	vsub.f32 $1.500000000e+00, v10  }
0x1a9: {  	v15 =	vmul.f32 v13, v15;
	v11 =	vsub.f32 $1.500000000e+00, v11  }
0x1aa: {  	v58 =	vsub.f32 $1.500000000e+00, v14;
	v8 =	vmul.f32 v8, v10  }
0x1ab: {  	v59 =	vsub.f32 $1.500000000e+00, v15;
	v9 =	vmul.f32 v9, v11  }
0x1ac: {  	v10 =	vmul.f32 v12, v58;
	v4 =	vmul.f32 v8, v4  }
0x1ad: {  	v11 =	vmul.f32 v13, v59;
	v5 =	vmul.f32 v9, v5  }
0x1ae: {  	v6 =	vmul.f32 v10, v6;
	v4 =	vmul.f32 v4, v8  }
0x1af: {  	v60 =	vld [tilespmem:$0x13E40];
	v7 =	vmul.f32 v11, v7;
	v5 =	vmul.f32 v5, v9  }
0x1b0: {  	v61 =	vld [tilespmem:$0x13E50];
	v6 =	vmul.f32 v6, v10;
	v4 =	vsub.f32 $1.500000000e+00, v4  }
0x1b1: {  	v62 =	vld [tilespmem:$0x13E60];
	v7 =	vmul.f32 v7, v11;
	v5 =	vsub.f32 $1.500000000e+00, v5  }
0x1b2: {  	v63 =	vld [tilespmem:$0x13E70];
	v6 =	vsub.f32 $1.500000000e+00, v6;
	v4 =	vmul.f32 v4, v8  }
0x1b3: {  	v7 =	vsub.f32 $1.500000000e+00, v7;
	v5 =	vmul.f32 v5, v9  }
0x1b4: {  	v6 =	vmul.f32 v6, v10;
	v4 =	vmul.f32 v4, v60  }
0x1b5: {  	v7 =	vmul.f32 v7, v11;
	v5 =	vmul.f32 v5, v61  }
0x1b6: {  	[tilespmem:$0x13F40] =	vst v4;
	v4 =	vmul.f32 v6, v62  }
0x1b7: {  	s5 =	sld [smem:$0x7F4];
	[tilespmem:$0x13F50] =	vst v5;
	v5 =	vmul.f32 v7, v63  }
0x1b8: {  	[tilespmem:$0x13F60] =	vst v4  }
0x1b9: {  	s22 =	simm.s32 $0x133C0;
	s23 =	sld [smem:$0x7F6];
	[tilespmem:$0x13F70] =	vst v5  }
0x1ba: {  	[spmem:s5] =	stream.linear.scatter [tilespmem:s22], [sflag:$0x2], $0xA00, $0x38;
	[tilespmem:$0x14440] =	vst v63  }
0x1bb: {  	s25 =	simm.s32 $0x13F40  }
0x1bc: {  	[spmem:s23] =	stream.linear.scatter [tilespmem:s25], [sflag:$0x2], $0x40, $0x38;
	[tilespmem:$0x14440] =	vst v63  }
0x1bd: {  	_ =	swait.ge [sflag:s30], $0xA00  }
0x1be: {  	[sflag:s30] =	ssyncset.done $0x0  }
0x1bf: {  	[sflag:s30] =	ssyncadd.s32 $0xFFFFF600  }
0x1c0: {  	_ =	swait.ge [sflag:s30], $0x40  }
0x1c1: {  	[sflag:s30] =	ssyncset.done $0x0  }
0x1c2: {  	[sflag:s30] =	ssyncadd.s32 $0xFFFFFFC0  }
0x1c3: {  	[bflag:$0x0] =	sbarrier.arrive $0xFFFF  }
0x1c4: {  	_ =	swait.ge [sflag:s16], $0x1880  }
0x1c5: {  	[sflag:s16] =	ssyncset.done $0x0  }
0x1c6: {  	[sflag:s16] =	ssyncadd.s32 $0xFFFFE780  }
0x1c7: {  	_ =	swait.ge [sflag:s16], $0xC40  }
0x1c8: {  	[sflag:s16] =	ssyncset.done $0x0  }
0x1c9: {  	[sflag:s16] =	ssyncadd.s32 $0xFFFFF3C0  }
0x1ca: {  	_ =	swait.ge [sflag:s16], $0xC40  }
0x1cb: {  	[sflag:s16] =	ssyncset.done $0x0  }
0x1cc: {  	[sflag:s16] =	ssyncadd.s32 $0xFFFFF3C0  }
0x1cd: {  	_ =	swait.ge [sflag:s16], $0x280  }
.Ltmp3:
0x1ce: {  	[sflag:s16] =	ssyncset.done $0x0;
	(pc) =	sbr.rel @p0 .LBB3_9-.Ltmp3, $4  }
0x1cf: {  	[sflag:s16] =	ssyncadd.s32 $0xFFFFFD80  }
0x1d0: {  	_ =	swait.ge [sflag:s16], $0x280  }
0x1d1: {  	[sflag:s16] =	ssyncset.done $0x0  }
0x1d2: {  	[sflag:s16] =	ssyncadd.s32 $0xFFFFFD80  }
0x1d3: {  	[tilespmem:$0xC3C0] =	vst v0  }
0x1d4: {  	[tilespmem:$0xC3D0] =	vst v0  }
0x1d5: {  	[tilespmem:$0xC3E0] =	vst v0  }
0x1d6: {  	[tilespmem:$0xC3F0] =	vst v0  }
0x1d7: {  	[tilespmem:$0xC400] =	vst v0  }
0x1d8: {  	[tilespmem:$0xC410] =	vst v0  }
0x1d9: {  	[tilespmem:$0xC420] =	vst v0  }
0x1da: {  	[tilespmem:$0xC430] =	vst v0  }
0x1db: {  	[tilespmem:$0xC440] =	vst v0  }
0x1dc: {  	[tilespmem:$0xC450] =	vst v0  }
0x1dd: {  	[tilespmem:$0xC460] =	vst v0  }
0x1de: {  	[tilespmem:$0xC470] =	vst v0  }
0x1df: {  	[tilespmem:$0xC480] =	vst v0  }
0x1e0: {  	[tilespmem:$0xC490] =	vst v0  }
0x1e1: {  	[tilespmem:$0xC4A0] =	vst v0  }
0x1e2: {  	[tilespmem:$0xC4B0] =	vst v0  }
0x1e3: {  	[tilespmem:$0xC4C0] =	vst v0  }
0x1e4: {  	[tilespmem:$0xC4D0] =	vst v0  }
0x1e5: {  	[tilespmem:$0xC4E0] =	vst v0  }
0x1e6: {  	[tilespmem:$0xC4F0] =	vst v0  }
0x1e7: {  	[tilespmem:$0xC500] =	vst v0  }
0x1e8: {  	[tilespmem:$0xC510] =	vst v0  }
0x1e9: {  	[tilespmem:$0xC520] =	vst v0  }
0x1ea: {  	[tilespmem:$0xC530] =	vst v0  }
0x1eb: {  	[tilespmem:$0xC540] =	vst v0  }
0x1ec: {  	[tilespmem:$0xC550] =	vst v0  }
0x1ed: {  	[tilespmem:$0xC560] =	vst v0  }
0x1ee: {  	[tilespmem:$0xC570] =	vst v0  }
0x1ef: {  	[tilespmem:$0xC580] =	vst v0  }
0x1f0: {  	[tilespmem:$0xC590] =	vst v0  }
0x1f1: {  	[tilespmem:$0xC5A0] =	vst v0  }
0x1f2: {  	[tilespmem:$0xC5B0] =	vst v0  }
0x1f3: {  	[tilespmem:$0xC5C0] =	vst v0  }
0x1f4: {  	[tilespmem:$0xC5D0] =	vst v0  }
0x1f5: {  	[tilespmem:$0xC5E0] =	vst v0  }
0x1f6: {  	[tilespmem:$0xC5F0] =	vst v0  }
0x1f7: {  	[tilespmem:$0xC600] =	vst v0  }
0x1f8: {  	[tilespmem:$0xC610] =	vst v0  }
0x1f9: {  	[tilespmem:$0xC620] =	vst v0  }
0x1fa: {  	[tilespmem:$0xC630] =	vst v0  }
0x1fb: {  	[tilespmem:$0xC640] =	vst v0  }
0x1fc: {  	[tilespmem:$0xC650] =	vst v0  }
0x1fd: {  	[tilespmem:$0xC660] =	vst v0  }
0x1fe: {  	[tilespmem:$0xC670] =	vst v0  }
0x1ff: {  	[tilespmem:$0xDC40] =	vst v1  }
0x200: {  	[tilespmem:$0xDC50] =	vst v1  }
0x201: {  	[tilespmem:$0xDC60] =	vst v1  }
0x202: {  	[tilespmem:$0xDC70] =	vst v1  }
0x203: {  	[tilespmem:$0xDC80] =	vst v1  }
0x204: {  	[tilespmem:$0xDC90] =	vst v1  }
0x205: {  	[tilespmem:$0xDCA0] =	vst v1  }
0x206: {  	[tilespmem:$0xDCB0] =	vst v1  }
0x207: {  	[tilespmem:$0xDCC0] =	vst v1  }
0x208: {  	[tilespmem:$0xDCD0] =	vst v1  }
0x209: {  	[tilespmem:$0xDCE0] =	vst v1  }
0x20a: {  	[tilespmem:$0xDCF0] =	vst v1  }
0x20b: {  	[tilespmem:$0xDD00] =	vst v1  }
0x20c: {  	[tilespmem:$0xDD10] =	vst v1  }
0x20d: {  	[tilespmem:$0xDD20] =	vst v1  }
0x20e: {  	[tilespmem:$0xDD30] =	vst v1  }
0x20f: {  	[tilespmem:$0xDD40] =	vst v1  }
0x210: {  	[tilespmem:$0xDD50] =	vst v1  }
0x211: {  	[tilespmem:$0xDD60] =	vst v1  }
0x212: {  	[tilespmem:$0xDD70] =	vst v1  }
0x213: {  	[tilespmem:$0xDD80] =	vst v1  }
0x214: {  	[tilespmem:$0xDD90] =	vst v1  }
0x215: {  	[tilespmem:$0xDDA0] =	vst v1  }
0x216: {  	[tilespmem:$0xDDB0] =	vst v1  }
0x217: {  	[tilespmem:$0xDDC0] =	vst v1  }
0x218: {  	[tilespmem:$0xDDD0] =	vst v1  }
0x219: {  	[tilespmem:$0xDDE0] =	vst v1  }
0x21a: {  	[tilespmem:$0xDDF0] =	vst v1  }
0x21b: {  	[tilespmem:$0xDE00] =	vst v1  }
0x21c: {  	[tilespmem:$0xDE10] =	vst v1  }
0x21d: {  	[tilespmem:$0xDE20] =	vst v1  }
0x21e: {  	[tilespmem:$0xDE30] =	vst v1  }
0x21f: {  	[tilespmem:$0xDE40] =	vst v1  }
0x220: {  	[tilespmem:$0xDE50] =	vst v1  }
0x221: {  	[tilespmem:$0xDE60] =	vst v1  }
0x222: {  	[tilespmem:$0xDE70] =	vst v1  }
0x223: {  	[tilespmem:$0xDE80] =	vst v1  }
0x224: {  	[tilespmem:$0xDE90] =	vst v1  }
0x225: {  	[tilespmem:$0xDEA0] =	vst v1  }
0x226: {  	[tilespmem:$0xDEB0] =	vst v1  }
0x227: {  	[tilespmem:$0xDEC0] =	vst v1  }
0x228: {  	[tilespmem:$0xDED0] =	vst v1  }
0x229: {  	[tilespmem:$0xDEE0] =	vst v1  }
0x22a: {  	[tilespmem:$0xDEF0] =	vst v1  }
0x22b: {  	[tilespmem:$0xF540] =	vst v2  }
0x22c: {  	[tilespmem:$0xF550] =	vst v2  }
0x22d: {  	[tilespmem:$0xF560] =	vst v2  }
0x22e: {  	[tilespmem:$0xF570] =	vst v2  }
0x22f: {  	[tilespmem:$0xF580] =	vst v2  }
0x230: {  	[tilespmem:$0xF590] =	vst v2  }
0x231: {  	[tilespmem:$0xF5A0] =	vst v2  }
0x232: {  	[tilespmem:$0xF5B0] =	vst v2  }
0x233: {  	[tilespmem:$0xF5C0] =	vst v2  }
0x234: {  	[tilespmem:$0xF5D0] =	vst v2  }
0x235: {  	[tilespmem:$0xF5E0] =	vst v2  }
0x236: {  	[tilespmem:$0xF5F0] =	vst v2  }
0x237: {  	[tilespmem:$0xF600] =	vst v2  }
0x238: {  	[tilespmem:$0xF610] =	vst v2  }
0x239: {  	[tilespmem:$0xF620] =	vst v2  }
0x23a: {  	[tilespmem:$0xF630] =	vst v2  }
0x23b: {  	[tilespmem:$0xF640] =	vst v2  }
0x23c: {  	[tilespmem:$0xF650] =	vst v2  }
0x23d: {  	[tilespmem:$0xF660] =	vst v2  }
0x23e: {  	[tilespmem:$0xF670] =	vst v2  }
0x23f: {  	[tilespmem:$0xF680] =	vst v2  }
0x240: {  	[tilespmem:$0xF690] =	vst v2  }
0x241: {  	[tilespmem:$0xF6A0] =	vst v2  }
0x242: {  	[tilespmem:$0xF6B0] =	vst v2  }
0x243: {  	[tilespmem:$0xF6C0] =	vst v2  }
0x244: {  	[tilespmem:$0xF6D0] =	vst v2  }
0x245: {  	[tilespmem:$0xF6E0] =	vst v2  }
0x246: {  	[tilespmem:$0xF6F0] =	vst v2  }
0x247: {  	[tilespmem:$0xF700] =	vst v2  }
0x248: {  	[tilespmem:$0xF710] =	vst v2  }
0x249: {  	[tilespmem:$0xF7C0] =	vst v1  }
0x24a: {  	[tilespmem:$0xF7D0] =	vst v1  }
0x24b: {  	[tilespmem:$0xF7E0] =	vst v1  }
0x24c: {  	[tilespmem:$0xF7F0] =	vst v1  }
0x24d: {  	[tilespmem:$0xF800] =	vst v1  }
0x24e: {  	[tilespmem:$0xF810] =	vst v1  }
0x24f: {  	[tilespmem:$0xF820] =	vst v1  }
0x250: {  	[tilespmem:$0xF830] =	vst v1  }
0x251: {  	[tilespmem:$0xF840] =	vst v1  }
0x252: {  	[tilespmem:$0xF850] =	vst v1  }
0x253: {  	[tilespmem:$0xF860] =	vst v1  }
0x254: {  	[tilespmem:$0xF870] =	vst v1  }
0x255: {  	[tilespmem:$0xF880] =	vst v1  }
0x256: {  	[tilespmem:$0xF890] =	vst v1  }
0x257: {  	[tilespmem:$0xF8A0] =	vst v1  }
0x258: {  	[tilespmem:$0xF8B0] =	vst v1  }
0x259: {  	[tilespmem:$0xF8C0] =	vst v1  }
0x25a: {  	[tilespmem:$0xF8D0] =	vst v1  }
0x25b: {  	[tilespmem:$0xF8E0] =	vst v1  }
0x25c: {  	[tilespmem:$0xF8F0] =	vst v1  }
0x25d: {  	[tilespmem:$0xF900] =	vst v1  }
0x25e: {  	[tilespmem:$0xF910] =	vst v1  }
0x25f: {  	[tilespmem:$0xF920] =	vst v1  }
0x260: {  	[tilespmem:$0xF930] =	vst v1  }
0x261: {  	[tilespmem:$0xF940] =	vst v1  }
0x262: {  	[tilespmem:$0xF950] =	vst v1  }
0x263: {  	[tilespmem:$0xF960] =	vst v1  }
0x264: {  	[tilespmem:$0xF970] =	vst v1  }
0x265: {  	[tilespmem:$0xF980] =	vst v1  }
0x266: {  	[tilespmem:$0xF990] =	vst v1  }
.LBB3_9:
0x267: {  	s5 =	rddreg [dreg:$0xd]  }
0x268: {  	[tilespmem:s17], [sflag:$0x4] =	stream.indirect.gather [spmem:s5], $0x1, s26, s0, $0xb8;
	[tilespmem:$0x14440] =	vst v63  }
0x269: {  	s6 =	simm.s32 $0xD000  }
0x26a: {  	[tilespmem:s1], [sflag:$0x4] =	stream.indirect.gather [spmem:s5], $0x1, s6, s0, $0xb8;
	[tilespmem:$0x14440] =	vst v63  }
0x26b: {  	s22 =	simm.s32 $0xF540  }
0x26c: {  	[tilespmem:s2], [sflag:$0x4] =	stream.indirect.gather [spmem:s21], $0x1, s22, s19, $0xb8;
	[tilespmem:$0x14440] =	vst v63  }
0x26d: {  	_ =	swait.ge [sflag:s16], $0xC40  }
0x26e: {  	[sflag:s16] =	ssyncset.done $0x0  }
0x26f: {  	[sflag:s16] =	ssyncadd.s32 $0xFFFFF3C0  }
0x270: {  	s25 =	simm.s32 $0xDC40;
	s23 =	rddreg [dreg:$0xb]  }
0x271: {  	[spmem:s23] =	stream.indirect.scatter.add.f32 [tilespmem:s17], [sflag:$0x4], $0x1, s25, s0, $0xb8;
	[tilespmem:$0x14440] =	vst v63  }
0x272: {  	_ =	swait.ge [sflag:s16], $0xC40  }
0x273: {  	[sflag:s16] =	ssyncset.done $0x0  }
0x274: {  	s26 =	simm.s32 $0xE8C0;
	[sflag:s16] =	ssyncadd.s32 $0xFFFFF3C0  }
0x275: {  	[spmem:s23] =	stream.indirect.scatter.add.f32 [tilespmem:s1], [sflag:$0x4], $0x1, s26, s0, $0xb8;
	[tilespmem:$0x14440] =	vst v63  }
0x276: {  	_ =	swait.ge [sflag:s16], $0x280  }
0x277: {  	[sflag:s16] =	ssyncset.done $0x0  }
0x278: {  	[sflag:s16] =	ssyncadd.s32 $0xFFFFFD80  }
0x279: {  	s7 =	simm.s32 $0xF7C0;
	s6 =	rddreg [dreg:$0xc]  }
0x27a: {  	[spmem:s6] =	stream.indirect.scatter.add.f32 [tilespmem:s2], [sflag:$0x4], $0x1, s7, s19, $0xb8;
	[tilespmem:$0x14440] =	vst v63  }
0x27b: {  	_ =	swait.ge [sflag:s16], $0xC40  }
0x27c: {  	[sflag:s16] =	ssyncset.done $0x0  }
0x27d: {  	[sflag:s16] =	ssyncadd.s32 $0xFFFFF3C0  }
0x27e: {  	_ =	swait.ge [sflag:s16], $0xC40  }
0x27f: {  	[sflag:s16] =	ssyncset.done $0x0  }
0x280: {  	[sflag:s16] =	ssyncadd.s32 $0xFFFFF3C0  }
0x281: {  	_ =	swait.ge [sflag:s16], $0x280  }
0x282: {  	[sflag:s16] =	ssyncset.done $0x0  }
0x283: {  	[sflag:s16] =	ssyncadd.s32 $0xFFFFFD80  }
0x284: {  	_ =	swait.ge [sflag:s31], $0x3100  }
0x285: {  	[sflag:s31] =	ssyncset.done $0x0  }
0x286: {  	[sflag:s31] =	ssyncadd.s32 $0xFFFFCF00  }
0x287: {  	_ =	swait.ge [sflag:s31], $0x500  }
0x288: {  	[sflag:s31] =	ssyncset.done $0x0  }
0x289: {  	[sflag:s31] =	ssyncadd.s32 $0xFFFFFB00  }
0x28a: {  	[bflag:$0x0] =	sbarrier.arrive $0xFFFF  }
0x28b: {  	s22 =	sld [smem:$0x7F7];
	_ =	sdelay $0x1  }
0x28c: {  	s6 =	simm.s32 $0x13FC0;
	s23 =	sld [smem:$0x7F8]  }
0x28d: {  	[tilespmem:s6], [sflag:$0x2] =	stream.linear.gather [spmem:s22], $0xD0, $0x38;
	[tilespmem:$0x14440] =	vst v63  }
0x28e: {  	s7 =	sld [smem:$0x7F9];
	s22 =	simm.s32 $0x140C0  }
0x28f: {  	[tilespmem:s22], [sflag:$0x2] =	stream.linear.gather [spmem:s23], $0xD0, $0x38;
	[tilespmem:$0x14440] =	vst v63  }
0x290: {  	s25 =	simm.s32 $0x141C0;
	s23 =	sld [smem:$0x7FA]  }
0x291: {  	[tilespmem:s25], [sflag:$0x2] =	stream.linear.gather [spmem:s7], $0xD0, $0x38;
	[tilespmem:$0x14440] =	vst v63  }
0x292: {  	s26 =	simm.s32 $0x142C0  }
0x293: {  	[tilespmem:s26], [sflag:$0x2] =	stream.linear.gather [spmem:s23], $0xD0, $0x38;
	[tilespmem:$0x14440] =	vst v63  }
0x294: {  	_ =	swait.ge [sflag:s30], $0xD0  }
0x295: {  	[sflag:s30] =	ssyncset.done $0x0  }
0x296: {  	[sflag:s30] =	ssyncadd.s32 $0xFFFFFF30  }
0x297: {  	_ =	swait.ge [sflag:s30], $0xD0  }
0x298: {  	[sflag:s30] =	ssyncset.done $0x0  }
0x299: {  	[sflag:s30] =	ssyncadd.s32 $0xFFFFFF30  }
0x29a: {  	_ =	swait.ge [sflag:s30], $0xD0  }
0x29b: {  	[sflag:s30] =	ssyncset.done $0x0  }
0x29c: {  	[sflag:s30] =	ssyncadd.s32 $0xFFFFFF30  }
0x29d: {  	_ =	swait.ge [sflag:s30], $0xD0  }
0x29e: {  	[sflag:s30] =	ssyncset.done $0x0  }
0x29f: {  	[sflag:s30] =	ssyncadd.s32 $0xFFFFFF30  }
0x2a0: {  	v5 =	vld [tilespmem:s26+$0x0];
	_ =	sdelay $0x1  }
0x2a1: {  	v4 =	vld [tilespmem:s25+$0x0];
	_ =	sdelay $0x2  }
0x2a2: {  	v5 =	vmax.f32 v5, $1.000000000e+00  }
0x2a3: {  	v7 =	vmul.f32 $5.000000000e-01, v5;
	v5 =	vshra.s32 v5, $0x1  }
0x2a4: {  	v4 =	vmax.f32 v4, $1.000000000e+00;
	v5 =	vsub.s32 $0x5F3759DF, v5  }
0x2a5: {  	v6 =	vshra.s32 v4, $0x1;
	v4 =	vmul.f32 $5.000000000e-01, v4;
	v9 =	vmul.f32 v5, v7  }
0x2a6: {  	v6 =	vsub.s32 $0x5F3759DF, v6  }
0x2a7: {  	s23 =	simm.s32 $0x141D0;
	v8 =	vmul.f32 v6, v4;
	v9 =	vmul.f32 v5, v9  }
0x2a8: {  	v10 =	vld [tilespmem:s23+$0x0];
	s25 =	simm.s32 $0x142D0  }
0x2a9: {  	v11 =	vld [tilespmem:s25+$0x0];
	v8 =	vmul.f32 v6, v8;
	v9 =	vsub.f32 $1.500000000e+00, v9;
	_ =	sdelay $0x1  }
0x2aa: {  	v8 =	vsub.f32 $1.500000000e+00, v8;
	v17 =	vmul.f32 v5, v9;
	_ =	sdelay $0x1  }
0x2ab: {  	v10 =	vmax.f32 v10, $1.000000000e+00;
	v16 =	vmul.f32 v6, v8;
	v7 =	vmul.f32 v17, v7  }
0x2ac: {  	s5 =	simm.s32 $0x142E0;
	v8 =	vmax.f32 v11, $1.000000000e+00;
	v5 =	vmul.f32 $5.000000000e-01, v10;
	v9 =	vshra.s32 v10, $0x1  }
0x2ad: {  	v15 =	vld [tilespmem:s5+$0x0];
	v10 =	vshra.s32 v8, $0x1;
	v4 =	vmul.f32 v16, v4;
	v12 =	vmul.f32 v7, v17  }
0x2ae: {  	s25 =	simm.s32 $0x141E0;
	v6 =	vmul.f32 $5.000000000e-01, v8;
	v8 =	vsub.s32 $0x5F3759DF, v9;
	v9 =	vsub.s32 $0x5F3759DF, v10;
	v10 =	vld [tilespmem:s6+$0x0]  }
0x2af: {  	v11 =	vmul.f32 v4, v16;
	v18 =	vsub.f32 $1.500000000e+00, v12;
	v12 =	vld [tilespmem:s25+$0x0]  }
0x2b0: {  	s26 =	simm.s32 $0x0;
	v13 =	vmul.f32 v8, v5;
	v14 =	vmul.f32 v9, v6;
	v7 =	vld [tilespmem:s22+$0x0]  }
0x2b1: {  	v19 =	vmov s26;
	v11 =	vsub.f32 $1.500000000e+00, v11  }
0x2b2: {  	vm0 =	vlt.u32 v19, v3;
	v13 =	vmul.f32 v8, v13;
	v14 =	vmul.f32 v9, v14  }
0x2b3: {  	s7 =	simm.s32 $0x10;
	s23 =	simm.s32 $0x20;
	s26 =	simm.s32 $0x30;
	v4 =	vimm.f32 $0.0e+00;
	v16 =	vmul.f32 v11, v16;
	v11 =	vmul.f32 v18, v17  }
.LBB3_10:
0x2b4: {  	p2 =	sne.s32 s26, $0xC0;
	v12 =	vmax.f32 v12, $1.000000000e+00;
	v13 =	vsub.f32 $1.500000000e+00, v13;
	v14 =	vsub.f32 $1.500000000e+00, v14  }
0x2b5: {  	v15 =	vmax.f32 v15, $1.000000000e+00;
	v10 =	vmul.f32 v16, v10;
	v7 =	vmul.f32 v11, v7  }
0x2b6: {  	v11 =	vshra.s32 v12, $0x1;
	v16 =	vmul.f32 v8, v13;
	v17 =	vmul.f32 v9, v14  }
0x2b7: {  	s6 =	sadd.s32 $0x10, s6;
	v12 =	vmul.f32 $5.000000000e-01, v12;
	v13 =	vmul.f32 $5.000000000e-01, v15;
	v14 =	vadd.f32 v7, v10  }
0x2b8: {  	s22 =	sadd.s32 $0x10, s22;
	v7 =	vshra.s32 v15, $0x1;
	v10 =	vld [tilespmem:s6+$0x0];
	v15 =	vmul.f32 v16, v5;
	v18 =	vmul.f32 v17, v6  }
0x2b9: {  	s25 =	sadd.s32 $0x10, s25;
	v8 =	vsub.s32 $0x5F3759DF, v11;
	v9 =	vsub.s32 $0x5F3759DF, v7;
	v5 =	vmovc v12;
	v6 =	vmovc v13;
	v7 =	vld [tilespmem:s22+$0x0];
	v11 =	vnsel vm0, $0x0, v14  }
.Ltmp4:
0x2ba: {  	s5 =	sadd.s32 $0x10, s5;
	v12 =	vld [tilespmem:s25+$0x0];
	v13 =	vmul.f32 v15, v16;
	v14 =	vmul.f32 v18, v17;
	v4 =	vadd.f32 v11, v4;
	(pc) =	sbr.rel @p2 .LBB3_10-.Ltmp4, $4  }
0x2bb: {  	v11 =	vmul.f32 v8, v5;
	v18 =	vmul.f32 v9, v6;
	v15 =	vld [tilespmem:s5+$0x0]  }
0x2bc: {  	v19 =	vsub.f32 $1.500000000e+00, v13;
	v20 =	vsub.f32 $1.500000000e+00, v14  }
0x2bd: {  	v13 =	vmul.f32 v8, v11;
	v14 =	vmul.f32 v9, v18;
	v18 =	vmov s7;
	s7 =	smov.u32 s23;
	s23 =	smov.u32 s26  }
0x2be: {  	s26 =	sadd.s32 $0x10, s26;
	vm0 =	vlt.u32 v18, v3;
	v16 =	vmul.f32 v19, v16;
	v11 =	vmul.f32 v20, v17  }
0x2bf: {  	v12 =	vmax.f32 v12, $1.000000000e+00  }
0x2c0: {  	v15 =	vmax.f32 v15, $1.000000000e+00;
	v17 =	vshra.s32 v12, $0x1  }
0x2c1: {  	v12 =	vmul.f32 $5.000000000e-01, v12;
	v18 =	vmul.f32 $5.000000000e-01, v15;
	v15 =	vshra.s32 v15, $0x1  }
0x2c2: {  	v17 =	vsub.s32 $0x5F3759DF, v17;
	v15 =	vsub.s32 $0x5F3759DF, v15  }
0x2c3: {  	v19 =	vmul.f32 v17, v12;
	v20 =	vmul.f32 v15, v18  }
0x2c4: {  	v13 =	vsub.f32 $1.500000000e+00, v13;
	v14 =	vsub.f32 $1.500000000e+00, v14  }
0x2c5: {  	v19 =	vmul.f32 v17, v19;
	v20 =	vmul.f32 v15, v20  }
0x2c6: {  	v8 =	vmul.f32 v8, v13;
	v9 =	vmul.f32 v9, v14  }
0x2c7: {  	v10 =	vmul.f32 v16, v10;
	v51 =	vsub.f32 $1.500000000e+00, v19;
	v52 =	vsub.f32 $1.500000000e+00, v20  }
0x2c8: {  	v5 =	vmul.f32 v8, v5;
	v6 =	vmul.f32 v9, v6  }
0x2c9: {  	s5 =	sadd.s32 $0x10, s6;
	v13 =	vmul.f32 v17, v51;
	v14 =	vmul.f32 v15, v52  }
0x2ca: {  	s26 =	sadd.s32 $0x10, s22;
	v53 =	vld [tilespmem:s5+$0x0];
	v5 =	vmul.f32 v5, v8;
	v6 =	vmul.f32 v6, v9  }
0x2cb: {  	v54 =	vld [tilespmem:s26+$0x0];
	v12 =	vmul.f32 v13, v12;
	v55 =	vmul.f32 v14, v18  }
0x2cc: {  	v7 =	vmul.f32 v11, v7;
	s5 =	sadd.s32 $0x10, s5;
	v5 =	vsub.f32 $1.500000000e+00, v5;
	v6 =	vsub.f32 $1.500000000e+00, v6  }
0x2cd: {  	s22 =	sadd.s32 $0x10, s26;
	v56 =	vld [tilespmem:s5+$0x0];
	v12 =	vmul.f32 v12, v13;
	v17 =	vmul.f32 v55, v14  }
0x2ce: {  	v57 =	vld [tilespmem:s22+$0x0];
	v5 =	vmul.f32 v5, v8;
	v6 =	vmul.f32 v6, v9  }
0x2cf: {  	v58 =	vsub.f32 $1.500000000e+00, v12;
	v59 =	vsub.f32 $1.500000000e+00, v17  }
0x2d0: {  	v7 =	vadd.f32 v7, v10;
	v5 =	vmul.f32 v5, v53;
	v6 =	vmul.f32 v6, v54  }
0x2d1: {  	v9 =	vmul.f32 v58, v13;
	v60 =	vmul.f32 v59, v14  }
0x2d2: {  	v61 =	vmov s7;
	v7 =	vnsel vm0, $0x0, v7  }
0x2d3: {  	v5 =	vadd.f32 v6, v5;
	v62 =	vmul.f32 v9, v56;
	v8 =	vmul.f32 v60, v57  }
0x2d4: {  	vm14 =	vlt.u32 v61, v3;
	v4 =	vadd.f32 v7, v4  }
0x2d5: {  	v63 =	vmov s23;
	v5 =	vnsel vm14, $0x0, v5;
	v6 =	vadd.f32 v8, v62  }
0x2d6: {  	vm15 =	vlt.u32 v63, v3;
	v4 =	vadd.f32 v5, v4  }
0x2d7: {  	v5 =	vnsel vm15, $0x0, v6  }
0x2d8: {  	s23 =	sld [smem:$0x7FB];
	v4 =	vadd.f32 v5, v4;
	_ =	sdelay $0x1  }
0x2d9: {  	s25 =	simm.s32 $0x143C0;
	[tilespmem:$0x143C0] =	vst v4  }
0x2da: {  	[hbm4b:s23+s8] =	stream.linear.scatter [tilespmem:s25], [sflag:$0x6], $0x10, $0x38;
	[tilespmem:$0x14440] =	vst v63  }
0x2db: {  	_ =	swait.ge [sflag:s20], $0x10  }
0x2dc: {  	s26 =	sld [smem:$0x7FC];
	_ =	sdelay $0x1  }
0x2dd: {  	s3 =	sadd.s32 $0x1, s3  }
0x2de: {  	p2 =	sne.s32 s3, s26  }
.Ltmp5:
0x2df: {  	_ = 	snop;
	(pc) =	sbr.rel @p2 .LBB3_1-.Ltmp5, $4  }
0x2e0: {  	_ = 	snop  }
0x2e1: {  	s7 =	simm.s32 $0x57C0  }
0x2e2: {  	s22 =	simm.s32 $0x88C0;
	s23 =	simm.s32 $0xB9C0;
	[sflag:s20] =	ssyncset.done $0x0  }
0x2e3: {  	s25 =	simm.s32 $0xBEC0;
	[sflag:s20] =	ssyncadd.s32 $0xFFFFFFF0;
	s26 =	simm.s32 $0xC3C0  }
0x2e4: {  	_ =	sfence.sel $0x180000  }
0x2e5: {  	[bflag:$0x0] =	sbarrier.arrive $0xFFFF  }
0x2e6: {  	_ =	strace $0x90000047  }
0x2e7: {  	s0 =	stileid.u32;
	[bflag:$0x2] =	sbarrier.arrive $0xFFFF  }
0x2e8: {  	p0 =	sne.s32 s0, $0x0;
	s0 =	rddreg [dreg:$0x16]  }
0x2e9: {  	s0 =	sadd.s32 @!p0 $0x100000, s0  }
0x2ea: {  	[sflag:s0] =	ssyncadd.tile.s32 @!p0 $0x1;
	_ =	shalt  }
.Lfunc_end3:
_tile_overlayer_lowered:
.L_overlay_start_3:
0x2eb: {  	(tag) =	ssettag $0x3  }
0x2ec: {  	s0 =	rddreg [dreg:$0x0];
	s2 =	stileid.u32  }
0x2ed: {  	s1 =	rddreg [dreg:$0x1];
	p0 =	sne.s32 s2, $0x0  }
0x2ee: {  	s3 =	rddreg [dreg:$0x2];
	[bflag:$0x3] =	sbarrier.arrive $0xFFFF;
	s2 =	simm.s32 @!p0 $0x1C06  }
0x2ef: {  	[timem:s3], [sflag:s2] =	dma.local @!p0 [hbm:s0], s1  }
0x2f0: {  	s0 =	simm.s32 @!p0 $0x6  }
0x2f1: {  	_ =	swait.ge @!p0 [sflag:s0], s1  }
0x2f2: {  	s1 =	ssub.s32 @!p0 $0x0, s1;
	[sflag:s0] =	ssyncset.done @!p0 $0x0  }
0x2f3: {  	[sflag:s0] =	ssyncadd.s32 @!p0 s1  }
0x2f4: {  	[bflag:$0x3] =	sbarrier.arrive $0xFFFF  }
0x2f5: {  	_ =	shalt  }

</sc_bundles>
